<compile_context>
chip_gen: v7x
topology: tpu7x:2x2x1
jax: 0.10.2.dev20260603
libtpu: 0.0.44.dev20260713+nightly
codegen_flags: <defaults>
</compile_context>

<pallas_src>
import functools

import jax
import jax.numpy as jnp
from jax import lax
from jax.experimental import pallas as pl
from jax.experimental.pallas import tpu as pltpu
from jax.experimental.pallas import tpu_sc as plsc

N_NODES = 10000
D = 128
N_EDGES = 320000

NC = 2
NS = 16
NW = NC * NS

CHUNK = 128
NCH = 80
EPW = NCH * CHUNK
E_PAD = EPW * NW
TOT_CH = E_PAD // CHUNK
K0 = 128
K1 = TOT_CH // NS - K0
IBLK = 32
NBUF = 2
BIN = N_NODES
ACC_ROWS = 10240
DEG_W = 16
DEG_ROWS = 10240

@functools.cache
def _get_deg_kernel():
    mesh = plsc.VectorSubcoreMesh(
        core_axis_name="c", subcore_axis_name="s",
        num_cores=NC, num_subcores=NS)
    return pl.kernel(
        _deg_body,
        out_type=jax.ShapeDtypeStruct((NW, 1, DEG_ROWS), jnp.float32),
        mesh=mesh,
        scratch_types=[
            pltpu.VMEM((NCH, CHUNK), jnp.int32),
            pltpu.VMEM((DEG_ROWS,), jnp.float32)
        ],
        compiler_params=pltpu.CompilerParams(needs_layout_passes=False),
    )


def _deg_body(z_hbm, dst_hbm, out_hbm, didx, hist):
    c = lax.axis_index("c")
    s = lax.axis_index("s")
    wid = c * NS + s

    pltpu.sync_copy(z_hbm, hist)
    pltpu.sync_copy(dst_hbm.at[wid], didx)
    ones = jnp.ones((16,), jnp.float32)

    def chunk_body(k, _):
        for j in range(CHUNK // 16):
            idx16 = didx[k, pl.ds(j * 16, 16)]
            plsc.addupdate_scatter(hist, [idx16], ones)
        return 0

    lax.fori_loop(0, NCH, chunk_body, 0)
    pltpu.sync_copy(hist, out_hbm.at[wid, 0])


@functools.cache
def _get_scatter_kernel():
    mesh = plsc.VectorSubcoreMesh(
        core_axis_name="c", subcore_axis_name="s",
        num_cores=NC, num_subcores=NS)
    return pl.kernel(
        _scatter_body,
        out_type=jax.ShapeDtypeStruct((NC, ACC_ROWS, D), jnp.float32),
        mesh=mesh,
        scratch_types=[
            pltpu.VMEM((IBLK, CHUNK), jnp.int32),
            pltpu.VMEM((IBLK, CHUNK), jnp.int32),
            pltpu.VMEM((NBUF, CHUNK, D), jnp.float32),
            pltpu.VMEM_SHARED((ACC_ROWS, D), jnp.float32),
            pltpu.SemaphoreType.DMA,
            pltpu.SemaphoreType.DMA,
            pltpu.SemaphoreType.DMA,
            pltpu.SemaphoreType.DMA,
        ],
    )


def _scatter_body(src_hbm, dst_hbm, g_hbm, z_hbm, out_hbm,
                  sidx, didx, rows, acc, sem0, sem1, sem2, sem3):
    c = lax.axis_index("c")
    s = lax.axis_index("s")
    sems = (sem0, sem1, sem2, sem3)

    zrows = ACC_ROWS // NS
    pltpu.sync_copy(z_hbm, acc.at[pl.ds(s * zrows, zrows)])
    plsc.subcore_barrier()

    base = jnp.where(c == 0, s * K0, NS * K0 + s * K1)
    nblk = jnp.where(c == 0, K0 // IBLK, K1 // IBLK)

    def issue(k, b):
        pltpu.async_copy(g_hbm.at[sidx.at[k]], rows.at[b], sems[b])

    def drain_and_scatter(k, b):
        pltpu.make_async_copy(g_hbm.at[sidx.at[k]], rows.at[b], sems[b]).wait()
        pltpu.sync_copy(rows.at[b], acc.at[didx.at[k]], add=True)

    def blk_body(j, _):
        @pl.when(j < nblk)
        def _():
            off = base + j * IBLK
            pltpu.sync_copy(src_hbm.at[pl.ds(off, IBLK)], sidx)
            pltpu.sync_copy(dst_hbm.at[pl.ds(off, IBLK)], didx)
            for b in range(NBUF):
                issue(b, b)

            def quad_body(i, _):
                for b in range(NBUF):
                    k = NBUF * i + b
                    drain_and_scatter(k, b)

                    @pl.when(k + NBUF < IBLK)
                    def _():
                        issue(k + NBUF, b)
                return 0

            lax.fori_loop(0, IBLK // NBUF, quad_body, 0)
        return 0

    lax.fori_loop(0, K0 // IBLK, blk_body, 0)
    plsc.subcore_barrier()

    orows = ACC_ROWS // NS
    pltpu.sync_copy(acc.at[pl.ds(s * orows, orows)],
                    out_hbm.at[c, pl.ds(s * orows, orows)])


ROWS_BLK = 400
GRID = N_NODES // ROWS_BLK


def _mm_scale_body(x_ref, w_ref, dinv_ref, o_ref):
    h = jnp.dot(x_ref[...], w_ref[...], preferred_element_type=jnp.float32)
    o_ref[...] = h * dinv_ref[...]


def _combine_mm_body(a_ref, g_ref, dinv_ref, b_ref, w_ref, o_ref):
    a = a_ref[0] + a_ref[1] + g_ref[...]
    y = jnp.maximum(a * dinv_ref[...] + b_ref[...], 0.0)
    h = jnp.dot(y, w_ref[...], preferred_element_type=jnp.float32)
    o_ref[...] = h * dinv_ref[...]


def _combine_body(a_ref, g_ref, dinv_ref, b_ref, o_ref):
    a = a_ref[0] + a_ref[1] + g_ref[...]
    o_ref[...] = a * dinv_ref[...] + b_ref[...]


def _blk(shape, imap):
    return pl.BlockSpec(shape, imap)


_row_spec = _blk((ROWS_BLK, D), lambda i: (i, 0))
_dinv_spec = _blk((ROWS_BLK, 1), lambda i: (i, 0))
_w_spec = _blk((D, D), lambda i: (0, 0))
_b_spec = _blk((1, D), lambda i: (0, 0))
_acc_spec = _blk((NC, ROWS_BLK, D), lambda i: (0, i, 0))
_out_sds = jax.ShapeDtypeStruct((N_NODES, D), jnp.float32)

_mm_scale = pl.pallas_call(
    _mm_scale_body,
    grid=(GRID,),
    in_specs=[_row_spec, _w_spec, _dinv_spec],
    out_specs=_row_spec,
    out_shape=_out_sds,
)

_combine_mm = pl.pallas_call(
    _combine_mm_body,
    grid=(GRID,),
    in_specs=[_acc_spec, _row_spec, _dinv_spec, _b_spec, _w_spec],
    out_specs=_row_spec,
    out_shape=_out_sds,
)

_combine = pl.pallas_call(
    _combine_body,
    grid=(GRID,),
    in_specs=[_acc_spec, _row_spec, _dinv_spec, _b_spec],
    out_specs=_row_spec,
    out_shape=_out_sds,
)


def kernel(x, edge_attr, edge_index, W1, b1, W2, b2):
    del edge_attr
    src = edge_index[0].astype(jnp.int32)
    dst = edge_index[1].astype(jnp.int32)
    pad = E_PAD - N_EDGES
    pad_dst = BIN + (jnp.arange(pad, dtype=jnp.int32) % (ACC_ROWS - N_NODES))
    src_f = jnp.concatenate(
        [src, jnp.zeros((pad,), jnp.int32)]).reshape(TOT_CH, CHUNK)
    dst_f = jnp.concatenate([dst, pad_dst]).reshape(TOT_CH, CHUNK)
    dst_p = dst_f.reshape(NW, NCH, CHUNK)
    zeros_tile = jnp.zeros((ACC_ROWS // NS, D), jnp.float32)

    zdeg = jnp.zeros((DEG_ROWS,), jnp.float32)
    degp = _get_deg_kernel()(zdeg, dst_p)
    deg = degp[:, 0, :N_NODES].sum(axis=0) + 1.0
    dinv = lax.rsqrt(deg)[:, None]

    b1r = b1[None, :]
    b2r = b2[None, :]

    g1 = _mm_scale(x, W1, dinv)
    acc1 = _get_scatter_kernel()(src_f, dst_f, g1, zeros_tile)
    g2 = _combine_mm(acc1, g1, dinv, b1r, W2)
    acc2 = _get_scatter_kernel()(src_f, dst_f, g2, zeros_tile)
    return _combine(acc2, g2, dinv, b2r)

# --- scband reference (transcript-rebuilt; emitter-appended) ---
"""Pipeline reference for scband-gcn-node-35158602285142 (READ-ONLY COPY).

The authoritative reference and input builder live on the scoring server;
editing this copy changes nothing except your own understanding.
"""

import jax, jax.numpy as jnp
import numpy as np

N_NODES = 10000
N_EDGES = 320000
D_IN = 128
D_HID = 128
D_OUT = 128


def setup_inputs(seed: int = 0) -> dict:
    key = jax.random.key(seed)
    k1, k2, k3, k4, k5, k6 = jax.random.split(key, 6)
    x = jax.random.normal(k1, (N_NODES, D_IN), dtype=jnp.float32)
    edge_attr = jax.random.normal(k2, (N_EDGES, 16), dtype=jnp.float32)
    edge_index = jax.random.randint(k3, (2, N_EDGES), 0, N_NODES, dtype=jnp.int64)
    # GCNConv learned params (glorot-ish init), 2 layers
    W1 = jax.random.normal(k4, (D_IN, D_HID), dtype=jnp.float32) * (1.0 / np.sqrt(D_IN))
    b1 = jnp.zeros((D_HID,), dtype=jnp.float32)
    W2 = jax.random.normal(k5, (D_HID, D_OUT), dtype=jnp.float32) * (1.0 / np.sqrt(D_HID))
    b2 = jnp.zeros((D_OUT,), dtype=jnp.float32)
    return {"x": x, "edge_attr": edge_attr, "edge_index": edge_index,
            "W1": W1, "b1": b1, "W2": W2, "b2": b2}


def _gcn_conv(x, edge_index, W, b):
    # Faithful PyG GCNConv: add self-loops, symmetric deg^-1/2 normalization,
    # message = norm * (x @ W)[src], aggregated (sum) at dst, plus bias.
    N = x.shape[0]
    src = edge_index[0]
    dst = edge_index[1]
    loop = jnp.arange(N, dtype=edge_index.dtype)
    src = jnp.concatenate([src, loop])
    dst = jnp.concatenate([dst, loop])
    deg = jnp.zeros((N,), dtype=x.dtype).at[dst].add(1.0)
    dinv = jnp.where(deg > 0, deg ** -0.5, 0.0)
    norm = dinv[src] * dinv[dst]
    h = x @ W
    msg = h[src] * norm[:, None]
    out = jax.ops.segment_sum(msg, dst, num_segments=N)
    return out + b


def reference(x, edge_attr, edge_index, W1, b1, W2, b2):
    # forward of GCN_Node (num_layers=2); dropout is identity in eval mode;
    # edge_attr is accepted but unused by GCNConv (matches original module).
    h = _gcn_conv(x, edge_index, W1, b1)
    h = jax.nn.relu(h)
    out = _gcn_conv(h, edge_index, W2, b2)
    return out

if __name__ == "__main__":
    import jax
    _d = setup_inputs()
    print(jax.jit(kernel)(*tuple(_d.values())))

</pallas_src>

<mosaic_0001>
#map = affine_map<(d0, d1) -> (0)>
#map1 = affine_map<(d0, d1) -> (0, 0, 0)>
module attributes {stable_mosaic.version = 14 : i64} {
  func.func @_deg_body(%arg0: i32, %arg1: i32, %arg2: memref<10240xf32, #tpu.memory_space<hbm>>, %arg3: memref<32x80x128xi32, #tpu.memory_space<hbm>>, %arg4: memref<32x1x10240xf32, #tpu.memory_space<hbm>>, %arg5: memref<80x128xi32, #tpu.memory_space<vmem>>, %arg6: memref<10240xf32, #tpu.memory_space<vmem>>) attributes {dimension_semantics = [#tpu.dimension_semantics<core_parallel>, #tpu.dimension_semantics<subcore_parallel>], iteration_bounds = array<i64: 2, 16>, scalar_prefetch = 0 : i64, scratch_operands = 2 : i64, tpu.core_type = #tpu.core_type<sc_vector_subcore>, window_params = [{transform_indices = #map}, {transform_indices = #map1}, {transform_indices = #map1}]} {
    %mul3A = arith.constant 16 : i32
    %mul3A_0 = arith.muli %arg0, %mul3A : i32
    %add3A = arith.addi %mul3A_0, %arg1 : i32
    "tpu.region"() ({
      %run_scoped3A_8 = tpu.sem_alloc : memref<!tpu.dma_semaphore, #tpu.memory_space<semaphore_mem>>
      tpu.enqueue_dma source(%arg2 : memref<10240xf32, #tpu.memory_space<hbm>>) target(%arg6 : memref<10240xf32, #tpu.memory_space<vmem>>) target_semaphore(%run_scoped3A_8 : memref<!tpu.dma_semaphore, #tpu.memory_space<semaphore_mem>>)
      tpu.wait_dma2 semaphore(%run_scoped3A_8 : memref<!tpu.dma_semaphore, #tpu.memory_space<semaphore_mem>>) src(%arg2 : memref<10240xf32, #tpu.memory_space<hbm>>) dst(%arg6 : memref<10240xf32, #tpu.memory_space<vmem>>)
      tpu.yield
    }) : () -> ()
    "tpu.region"() ({
      %run_scoped3A_8 = tpu.sem_alloc : memref<!tpu.dma_semaphore, #tpu.memory_space<semaphore_mem>>
      %dma_start3A = arith.constant 0 : i32
      %dma_start3A_9 = arith.constant 0 : i32
      %dma_start3A_10 = tpu.memref_slice %arg3[%add3A, %dma_start3A, %dma_start3A_9] : memref<32x80x128xi32, #tpu.memory_space<hbm>> -> memref<1x80x128xi32, #tpu.memory_space<hbm>>
      %dma_start3A_11 = tpu.memref_squeeze %dma_start3A_10 : memref<1x80x128xi32, #tpu.memory_space<hbm>> -> memref<80x128xi32, #tpu.memory_space<hbm>>
      %dma_start3A_12 = arith.constant 0 : i32
      %dma_start3A_13 = arith.constant 0 : i32
      %dma_start3A_14 = tpu.memref_slice %arg3[%add3A, %dma_start3A_12, %dma_start3A_13] : memref<32x80x128xi32, #tpu.memory_space<hbm>> -> memref<1x80x128xi32, #tpu.memory_space<hbm>>
      %dma_start3A_15 = tpu.memref_squeeze %dma_start3A_14 : memref<1x80x128xi32, #tpu.memory_space<hbm>> -> memref<80x128xi32, #tpu.memory_space<hbm>>
      tpu.enqueue_dma source(%dma_start3A_15 : memref<80x128xi32, #tpu.memory_space<hbm>>) target(%arg5 : memref<80x128xi32, #tpu.memory_space<vmem>>) target_semaphore(%run_scoped3A_8 : memref<!tpu.dma_semaphore, #tpu.memory_space<semaphore_mem>>)
      %dma_wait3A = arith.constant 0 : i32
      %dma_wait3A_16 = arith.constant 0 : i32
      %dma_wait3A_17 = tpu.memref_slice %arg3[%add3A, %dma_wait3A, %dma_wait3A_16] : memref<32x80x128xi32, #tpu.memory_space<hbm>> -> memref<1x80x128xi32, #tpu.memory_space<hbm>>
      %dma_wait3A_18 = tpu.memref_squeeze %dma_wait3A_17 : memref<1x80x128xi32, #tpu.memory_space<hbm>> -> memref<80x128xi32, #tpu.memory_space<hbm>>
      %dma_wait3A_19 = arith.constant 0 : i32
      %dma_wait3A_20 = arith.constant 0 : i32
      %dma_wait3A_21 = tpu.memref_slice %arg3[%add3A, %dma_wait3A_19, %dma_wait3A_20] : memref<32x80x128xi32, #tpu.memory_space<hbm>> -> memref<1x80x128xi32, #tpu.memory_space<hbm>>
      %dma_wait3A_22 = tpu.memref_squeeze %dma_wait3A_21 : memref<1x80x128xi32, #tpu.memory_space<hbm>> -> memref<80x128xi32, #tpu.memory_space<hbm>>
      tpu.wait_dma2 semaphore(%run_scoped3A_8 : memref<!tpu.dma_semaphore, #tpu.memory_space<semaphore_mem>>) src(%dma_wait3A_22 : memref<80x128xi32, #tpu.memory_space<hbm>>) dst(%arg5 : memref<80x128xi32, #tpu.memory_space<vmem>>)
      tpu.yield
    }) : () -> ()
    %broadcast_in_dim3A = arith.constant 1.000000e+00 : f32
    %broadcast_in_dim3A_1 = vector.broadcast %broadcast_in_dim3A : f32 to vector<16xf32>
    %scan3A = arith.constant 0 : i32
    %scan3A_2 = arith.constant 0 : i32
    %scan3A_3 = arith.constant 80 : i32
    %scan3A_4 = arith.addi %scan3A_2, %scan3A_3 : i32
    %scan3A_5 = arith.constant 1 : i32
    %scan3A_6 = scf.for %scan3A_8 = %scan3A_2 to %scan3A_4 step %scan3A_5 iter_args(%scan3A_9 = %scan3A) -> (i32)  : i32 {
      %get3A = arith.index_cast %scan3A_8 : i32 to index
      %get3A_10 = arith.constant 0 : index
      %get3A_11 = tpu.vector_load %arg5[%get3A, %get3A_10] {strides = array<i32>} : memref<80x128xi32, #tpu.memory_space<vmem>>, vector<16xi32>,
      tpu.vector_store_idx %arg6[%get3A_11], %broadcast_in_dim3A_1 {add = true} : memref<10240xf32, #tpu.memory_space<vmem>>[vector<16xi32>], vector<16xf32>,
      %get3A_12 = arith.index_cast %scan3A_8 : i32 to index
      %get3A_13 = arith.constant 16 : index
      %get3A_14 = tpu.vector_load %arg5[%get3A_12, %get3A_13] {strides = array<i32>} : memref<80x128xi32, #tpu.memory_space<vmem>>, vector<16xi32>,
      tpu.vector_store_idx %arg6[%get3A_14], %broadcast_in_dim3A_1 {add = true} : memref<10240xf32, #tpu.memory_space<vmem>>[vector<16xi32>], vector<16xf32>,
      %get3A_15 = arith.index_cast %scan3A_8 : i32 to index
      %get3A_16 = arith.constant 32 : index
      %get3A_17 = tpu.vector_load %arg5[%get3A_15, %get3A_16] {strides = array<i32>} : memref<80x128xi32, #tpu.memory_space<vmem>>, vector<16xi32>,
      tpu.vector_store_idx %arg6[%get3A_17], %broadcast_in_dim3A_1 {add = true} : memref<10240xf32, #tpu.memory_space<vmem>>[vector<16xi32>], vector<16xf32>,
      %get3A_18 = arith.index_cast %scan3A_8 : i32 to index
      %get3A_19 = arith.constant 48 : index
      %get3A_20 = tpu.vector_load %arg5[%get3A_18, %get3A_19] {strides = array<i32>} : memref<80x128xi32, #tpu.memory_space<vmem>>, vector<16xi32>,
      tpu.vector_store_idx %arg6[%get3A_20], %broadcast_in_dim3A_1 {add = true} : memref<10240xf32, #tpu.memory_space<vmem>>[vector<16xi32>], vector<16xf32>,
      %get3A_21 = arith.index_cast %scan3A_8 : i32 to index
      %get3A_22 = arith.constant 64 : index
      %get3A_23 = tpu.vector_load %arg5[%get3A_21, %get3A_22] {strides = array<i32>} : memref<80x128xi32, #tpu.memory_space<vmem>>, vector<16xi32>,
      tpu.vector_store_idx %arg6[%get3A_23], %broadcast_in_dim3A_1 {add = true} : memref<10240xf32, #tpu.memory_space<vmem>>[vector<16xi32>], vector<16xf32>,
      %get3A_24 = arith.index_cast %scan3A_8 : i32 to index
      %get3A_25 = arith.constant 80 : index
      %get3A_26 = tpu.vector_load %arg5[%get3A_24, %get3A_25] {strides = array<i32>} : memref<80x128xi32, #tpu.memory_space<vmem>>, vector<16xi32>,
      tpu.vector_store_idx %arg6[%get3A_26], %broadcast_in_dim3A_1 {add = true} : memref<10240xf32, #tpu.memory_space<vmem>>[vector<16xi32>], vector<16xf32>,
      %get3A_27 = arith.index_cast %scan3A_8 : i32 to index
      %get3A_28 = arith.constant 96 : index
      %get3A_29 = tpu.vector_load %arg5[%get3A_27, %get3A_28] {strides = array<i32>} : memref<80x128xi32, #tpu.memory_space<vmem>>, vector<16xi32>,
      tpu.vector_store_idx %arg6[%get3A_29], %broadcast_in_dim3A_1 {add = true} : memref<10240xf32, #tpu.memory_space<vmem>>[vector<16xi32>], vector<16xf32>,
      %get3A_30 = arith.index_cast %scan3A_8 : i32 to index
      %get3A_31 = arith.constant 112 : index
      %get3A_32 = tpu.vector_load %arg5[%get3A_30, %get3A_31] {strides = array<i32>} : memref<80x128xi32, #tpu.memory_space<vmem>>, vector<16xi32>,
      tpu.vector_store_idx %arg6[%get3A_32], %broadcast_in_dim3A_1 {add = true} : memref<10240xf32, #tpu.memory_space<vmem>>[vector<16xi32>], vector<16xf32>,
      %scan3A_33 = arith.constant 0 : i32
      scf.yield %scan3A_33 : i32
    }
    %scan3A_7 = arith.constant 80 : i32
    %run_scoped3A = arith.constant 0 : i32
    "tpu.region"() ({
      %run_scoped3A_8 = tpu.sem_alloc : memref<!tpu.dma_semaphore, #tpu.memory_space<semaphore_mem>>
      %dma_start3A = arith.constant 0 : i32
      %dma_start3A_9 = tpu.memref_slice %arg4[%add3A, %run_scoped3A, %dma_start3A] : memref<32x1x10240xf32, #tpu.memory_space<hbm>> -> memref<1x1x10240xf32, #tpu.memory_space<hbm>>
      %dma_start3A_10 = tpu.memref_squeeze %dma_start3A_9 : memref<1x1x10240xf32, #tpu.memory_space<hbm>> -> memref<10240xf32, #tpu.memory_space<hbm>>
      %dma_start3A_11 = arith.constant 0 : i32
      %dma_start3A_12 = tpu.memref_slice %arg4[%add3A, %run_scoped3A, %dma_start3A_11] : memref<32x1x10240xf32, #tpu.memory_space<hbm>> -> memref<1x1x10240xf32, #tpu.memory_space<hbm>>
      %dma_start3A_13 = tpu.memref_squeeze %dma_start3A_12 : memref<1x1x10240xf32, #tpu.memory_space<hbm>> -> memref<10240xf32, #tpu.memory_space<hbm>>
      tpu.enqueue_dma source(%arg6 : memref<10240xf32, #tpu.memory_space<vmem>>) target(%dma_start3A_13 : memref<10240xf32, #tpu.memory_space<hbm>>) target_semaphore(%run_scoped3A_8 : memref<!tpu.dma_semaphore, #tpu.memory_space<semaphore_mem>>)
      %dma_wait3A = arith.constant 0 : i32
      %dma_wait3A_14 = tpu.memref_slice %arg4[%add3A, %run_scoped3A, %dma_wait3A] : memref<32x1x10240xf32, #tpu.memory_space<hbm>> -> memref<1x1x10240xf32, #tpu.memory_space<hbm>>
      %dma_wait3A_15 = tpu.memref_squeeze %dma_wait3A_14 : memref<1x1x10240xf32, #tpu.memory_space<hbm>> -> memref<10240xf32, #tpu.memory_space<hbm>>
      %dma_wait3A_16 = arith.constant 0 : i32
      %dma_wait3A_17 = tpu.memref_slice %arg4[%add3A, %run_scoped3A, %dma_wait3A_16] : memref<32x1x10240xf32, #tpu.memory_space<hbm>> -> memref<1x1x10240xf32, #tpu.memory_space<hbm>>
      %dma_wait3A_18 = tpu.memref_squeeze %dma_wait3A_17 : memref<1x1x10240xf32, #tpu.memory_space<hbm>> -> memref<10240xf32, #tpu.memory_space<hbm>>
      tpu.wait_dma2 semaphore(%run_scoped3A_8 : memref<!tpu.dma_semaphore, #tpu.memory_space<semaphore_mem>>) src(%arg6 : memref<10240xf32, #tpu.memory_space<vmem>>) dst(%dma_wait3A_18 : memref<10240xf32, #tpu.memory_space<hbm>>)
      tpu.yield
    }) : () -> ()
    return
  }
}

#map = affine_map<(d0, d1) -> (0, 0)>
#map1 = affine_map<(d0, d1) -> (0, 0, 0)>
module attributes {stable_mosaic.version = 14 : i64} {
  func.func @_scatter_body(%arg0: i32, %arg1: i32, %arg2: memref<2560x128xi32, #tpu.memory_space<hbm>>, %arg3: memref<2560x128xi32, #tpu.memory_space<hbm>>, %arg4: memref<10000x128xf32, #tpu.memory_space<hbm>>, %arg5: memref<640x128xf32, #tpu.memory_space<hbm>>, %arg6: memref<2x10240x128xf32, #tpu.memory_space<hbm>>, %arg7: memref<32x128xi32, #tpu.memory_space<vmem>>, %arg8: memref<32x128xi32, #tpu.memory_space<vmem>>, %arg9: memref<2x128x128xf32, #tpu.memory_space<vmem>>, %arg10: memref<10240x128xf32, #tpu.memory_space<vmem_shared>>, %arg11: memref<!tpu.dma_semaphore, #tpu.memory_space<semaphore_mem>>, %arg12: memref<!tpu.dma_semaphore, #tpu.memory_space<semaphore_mem>>, %arg13: memref<!tpu.dma_semaphore, #tpu.memory_space<semaphore_mem>>, %arg14: memref<!tpu.dma_semaphore, #tpu.memory_space<semaphore_mem>>) attributes {dimension_semantics = [#tpu.dimension_semantics<core_parallel>, #tpu.dimension_semantics<subcore_parallel>], iteration_bounds = array<i64: 2, 16>, scalar_prefetch = 0 : i64, scratch_operands = 8 : i64, tpu.core_type = #tpu.core_type<sc_vector_subcore>, window_params = [{transform_indices = #map}, {transform_indices = #map}, {transform_indices = #map}, {transform_indices = #map}, {transform_indices = #map1}]} {
    %mul3A = arith.constant 640 : i32
    %mul3A_0 = arith.muli %arg1, %mul3A : i32
    "tpu.region"() ({
      %run_scoped3A = tpu.sem_alloc : memref<!tpu.dma_semaphore, #tpu.memory_space<semaphore_mem>>
      %dma_start3A = arith.constant 0 : i32
      %dma_start3A_22 = tpu.memref_slice %arg10[%mul3A_0, %dma_start3A] : memref<10240x128xf32, #tpu.memory_space<vmem_shared>> -> memref<640x128xf32, #tpu.memory_space<vmem_shared>>
      tpu.enqueue_dma source(%arg5 : memref<640x128xf32, #tpu.memory_space<hbm>>) target(%dma_start3A_22 : memref<640x128xf32, #tpu.memory_space<vmem_shared>>) target_semaphore(%run_scoped3A : memref<!tpu.dma_semaphore, #tpu.memory_space<semaphore_mem>>)
      %dma_wait3A = arith.constant 0 : i32
      %dma_wait3A_23 = tpu.memref_slice %arg10[%mul3A_0, %dma_wait3A] : memref<10240x128xf32, #tpu.memory_space<vmem_shared>> -> memref<640x128xf32, #tpu.memory_space<vmem_shared>>
      tpu.wait_dma2 semaphore(%run_scoped3A : memref<!tpu.dma_semaphore, #tpu.memory_space<semaphore_mem>>) src(%arg5 : memref<640x128xf32, #tpu.memory_space<hbm>>) dst(%dma_wait3A_23 : memref<640x128xf32, #tpu.memory_space<vmem_shared>>)
      tpu.yield
    }) : () -> ()
    %barrier3A = arith.constant 0 : index
    tpu.barrier barrier_id(%barrier3A)
    %eq3A = arith.constant 0 : i32
    %eq3A_1 = arith.cmpi eq, %arg0, %eq3A : i32
    %mul3A_2 = arith.constant 128 : i32
    %mul3A_3 = arith.muli %arg1, %mul3A_2 : i32
    %mul3A_4 = arith.constant 32 : i32
    %mul3A_5 = arith.muli %arg1, %mul3A_4 : i32
    %add3A = arith.constant 2048 : i32
    %add3A_6 = arith.addi %add3A, %mul3A_5 : i32
    %select_n3A = arith.select %eq3A_1, %mul3A_3, %add3A_6 : i32
    %eq3A_7 = arith.constant 0 : i32
    %eq3A_8 = arith.cmpi eq, %arg0, %eq3A_7 : i32
    %jit3A = arith.constant 4 : i32
    %jit3A_9 = arith.constant 1 : i32
    %select_n3A_10 = arith.select %eq3A_8, %jit3A, %jit3A_9 : i32
    %scan3A = arith.constant 0 : i32
    %scan3A_11 = arith.constant 0 : i32
    %scan3A_12 = arith.constant 4 : i32
    %scan3A_13 = arith.addi %scan3A_11, %scan3A_12 : i32
    %scan3A_14 = arith.constant 1 : i32
    %scan3A_15 = scf.for %scan3A_22 = %scan3A_11 to %scan3A_13 step %scan3A_14 iter_args(%scan3A_23 = %scan3A) -> (i32)  : i32 {
      %lt3A = arith.cmpi slt, %scan3A_22, %select_n3A_10 : i32
      %convert_element_type3A = arith.extui %lt3A : i1 to i32
      %cond3A = arith.constant 0 : i32
      %cond3A_24 = arith.cmpi ne, %convert_element_type3A, %cond3A : i32
      scf.if %cond3A_24 {
        %mul3A_26 = arith.constant 32 : i32
        %mul3A_27 = arith.muli %scan3A_22, %mul3A_26 : i32
        %add3A_28 = arith.addi %select_n3A, %mul3A_27 : i32
        "tpu.region"() ({
          %run_scoped3A = tpu.sem_alloc : memref<!tpu.dma_semaphore, #tpu.memory_space<semaphore_mem>>
          %dma_start3A_59 = arith.constant 0 : i32
          %dma_start3A_60 = tpu.memref_slice %arg2[%add3A_28, %dma_start3A_59] : memref<2560x128xi32, #tpu.memory_space<hbm>> -> memref<32x128xi32, #tpu.memory_space<hbm>>
          %dma_start3A_61 = arith.constant 0 : i32
          %dma_start3A_62 = tpu.memref_slice %arg2[%add3A_28, %dma_start3A_61] : memref<2560x128xi32, #tpu.memory_space<hbm>> -> memref<32x128xi32, #tpu.memory_space<hbm>>
          tpu.enqueue_dma source(%dma_start3A_62 : memref<32x128xi32, #tpu.memory_space<hbm>>) target(%arg7 : memref<32x128xi32, #tpu.memory_space<vmem>>) target_semaphore(%run_scoped3A : memref<!tpu.dma_semaphore, #tpu.memory_space<semaphore_mem>>)
          %dma_wait3A = arith.constant 0 : i32
          %dma_wait3A_63 = tpu.memref_slice %arg2[%add3A_28, %dma_wait3A] : memref<2560x128xi32, #tpu.memory_space<hbm>> -> memref<32x128xi32, #tpu.memory_space<hbm>>
          %dma_wait3A_64 = arith.constant 0 : i32
          %dma_wait3A_65 = tpu.memref_slice %arg2[%add3A_28, %dma_wait3A_64] : memref<2560x128xi32, #tpu.memory_space<hbm>> -> memref<32x128xi32, #tpu.memory_space<hbm>>
          tpu.wait_dma2 semaphore(%run_scoped3A : memref<!tpu.dma_semaphore, #tpu.memory_space<semaphore_mem>>) src(%dma_wait3A_65 : memref<32x128xi32, #tpu.memory_space<hbm>>) dst(%arg7 : memref<32x128xi32, #tpu.memory_space<vmem>>)
          tpu.yield
        }) : () -> ()
        "tpu.region"() ({
          %run_scoped3A = tpu.sem_alloc : memref<!tpu.dma_semaphore, #tpu.memory_space<semaphore_mem>>
          %dma_start3A_59 = arith.constant 0 : i32
          %dma_start3A_60 = tpu.memref_slice %arg3[%add3A_28, %dma_start3A_59] : memref<2560x128xi32, #tpu.memory_space<hbm>> -> memref<32x128xi32, #tpu.memory_space<hbm>>
          %dma_start3A_61 = arith.constant 0 : i32
          %dma_start3A_62 = tpu.memref_slice %arg3[%add3A_28, %dma_start3A_61] : memref<2560x128xi32, #tpu.memory_space<hbm>> -> memref<32x128xi32, #tpu.memory_space<hbm>>
          tpu.enqueue_dma source(%dma_start3A_62 : memref<32x128xi32, #tpu.memory_space<hbm>>) target(%arg8 : memref<32x128xi32, #tpu.memory_space<vmem>>) target_semaphore(%run_scoped3A : memref<!tpu.dma_semaphore, #tpu.memory_space<semaphore_mem>>)
          %dma_wait3A = arith.constant 0 : i32
          %dma_wait3A_63 = tpu.memref_slice %arg3[%add3A_28, %dma_wait3A] : memref<2560x128xi32, #tpu.memory_space<hbm>> -> memref<32x128xi32, #tpu.memory_space<hbm>>
          %dma_wait3A_64 = arith.constant 0 : i32
          %dma_wait3A_65 = tpu.memref_slice %arg3[%add3A_28, %dma_wait3A_64] : memref<2560x128xi32, #tpu.memory_space<hbm>> -> memref<32x128xi32, #tpu.memory_space<hbm>>
          tpu.wait_dma2 semaphore(%run_scoped3A : memref<!tpu.dma_semaphore, #tpu.memory_space<semaphore_mem>>) src(%dma_wait3A_65 : memref<32x128xi32, #tpu.memory_space<hbm>>) dst(%arg8 : memref<32x128xi32, #tpu.memory_space<vmem>>)
          tpu.yield
        }) : () -> ()
        %dma_start3A = arith.constant 0 : i32
        %dma_start3A_29 = arith.constant 0 : i32
        %dma_start3A_30 = arith.constant 0 : i32
        %dma_start3A_31 = arith.constant 0 : i32
        %dma_start3A_32 = tpu.memref_slice %arg9[%dma_start3A_29, %dma_start3A_30, %dma_start3A_31] : memref<2x128x128xf32, #tpu.memory_space<vmem>> -> memref<1x128x128xf32, #tpu.memory_space<vmem>>
        %dma_start3A_33 = tpu.memref_squeeze %dma_start3A_32 : memref<1x128x128xf32, #tpu.memory_space<vmem>> -> memref<128x128xf32, #tpu.memory_space<vmem>>
        %dma_start3A_34 = arith.constant 0 : i32
        %dma_start3A_35 = tpu.memref_slice %arg7[%dma_start3A, %dma_start3A_34] : memref<32x128xi32, #tpu.memory_space<vmem>> -> memref<1x128xi32, #tpu.memory_space<vmem>>
        %dma_start3A_36 = tpu.memref_squeeze %dma_start3A_35 : memref<1x128xi32, #tpu.memory_space<vmem>> -> memref<128xi32, #tpu.memory_space<vmem>>
        %dma_start3A_37 = arith.constant 0 : i32
        %dma_start3A_38 = arith.constant 0 : i32
        %dma_start3A_39 = tpu.memref_slice %arg4[%dma_start3A_37, %dma_start3A_38] : memref<10000x128xf32, #tpu.memory_space<hbm>> -> memref<10000x128xf32, #tpu.memory_space<hbm>>
        tpu.enqueue_indirect_dma source(%dma_start3A_39 : memref<10000x128xf32, #tpu.memory_space<hbm>>) target(%dma_start3A_33 : memref<128x128xf32, #tpu.memory_space<vmem>>) offsets(%dma_start3A_36 : memref<128xi32, #tpu.memory_space<vmem>>) semaphore(%arg11 : memref<!tpu.dma_semaphore, #tpu.memory_space<semaphore_mem>>)
        %dma_start3A_40 = arith.constant 1 : i32
        %dma_start3A_41 = arith.constant 1 : i32
        %dma_start3A_42 = arith.constant 0 : i32
        %dma_start3A_43 = arith.constant 0 : i32
        %dma_start3A_44 = tpu.memref_slice %arg9[%dma_start3A_41, %dma_start3A_42, %dma_start3A_43] : memref<2x128x128xf32, #tpu.memory_space<vmem>> -> memref<1x128x128xf32, #tpu.memory_space<vmem>>
        %dma_start3A_45 = tpu.memref_squeeze %dma_start3A_44 : memref<1x128x128xf32, #tpu.memory_space<vmem>> -> memref<128x128xf32, #tpu.memory_space<vmem>>
        %dma_start3A_46 = arith.constant 0 : i32
        %dma_start3A_47 = tpu.memref_slice %arg7[%dma_start3A_40, %dma_start3A_46] : memref<32x128xi32, #tpu.memory_space<vmem>> -> memref<1x128xi32, #tpu.memory_space<vmem>>
        %dma_start3A_48 = tpu.memref_squeeze %dma_start3A_47 : memref<1x128xi32, #tpu.memory_space<vmem>> -> memref<128xi32, #tpu.memory_space<vmem>>
        %dma_start3A_49 = arith.constant 0 : i32
        %dma_start3A_50 = arith.constant 0 : i32
        %dma_start3A_51 = tpu.memref_slice %arg4[%dma_start3A_49, %dma_start3A_50] : memref<10000x128xf32, #tpu.memory_space<hbm>> -> memref<10000x128xf32, #tpu.memory_space<hbm>>
        tpu.enqueue_indirect_dma source(%dma_start3A_51 : memref<10000x128xf32, #tpu.memory_space<hbm>>) target(%dma_start3A_45 : memref<128x128xf32, #tpu.memory_space<vmem>>) offsets(%dma_start3A_48 : memref<128xi32, #tpu.memory_space<vmem>>) semaphore(%arg12 : memref<!tpu.dma_semaphore, #tpu.memory_space<semaphore_mem>>)
        %scan3A_52 = arith.constant 0 : i32
        %scan3A_53 = arith.constant 0 : i32
        %scan3A_54 = arith.constant 16 : i32
        %scan3A_55 = arith.addi %scan3A_53, %scan3A_54 : i32
        %scan3A_56 = arith.constant 1 : i32
        %scan3A_57 = scf.for %scan3A_59 = %scan3A_53 to %scan3A_55 step %scan3A_56 iter_args(%scan3A_60 = %scan3A_52) -> (i32)  : i32 {
          %mul3A_61 = arith.constant 2 : i32
          %mul3A_62 = arith.muli %mul3A_61, %scan3A_59 : i32
          %add3A_63 = arith.constant 0 : i32
          %add3A_64 = arith.addi %mul3A_62, %add3A_63 : i32
          %dma_wait3A = arith.constant 0 : i32
          %dma_wait3A_65 = arith.constant 0 : i32
          %dma_wait3A_66 = arith.constant 0 : i32
          %dma_wait3A_67 = tpu.memref_slice %arg9[%dma_wait3A, %dma_wait3A_65, %dma_wait3A_66] : memref<2x128x128xf32, #tpu.memory_space<vmem>> -> memref<1x128x128xf32, #tpu.memory_space<vmem>>
          %dma_wait3A_68 = tpu.memref_squeeze %dma_wait3A_67 : memref<1x128x128xf32, #tpu.memory_space<vmem>> -> memref<128x128xf32, #tpu.memory_space<vmem>>
          %dma_wait3A_69 = arith.constant 0 : i32
          %dma_wait3A_70 = tpu.memref_slice %arg7[%add3A_64, %dma_wait3A_69] : memref<32x128xi32, #tpu.memory_space<vmem>> -> memref<1x128xi32, #tpu.memory_space<vmem>>
          %dma_wait3A_71 = tpu.memref_squeeze %dma_wait3A_70 : memref<1x128xi32, #tpu.memory_space<vmem>> -> memref<128xi32, #tpu.memory_space<vmem>>
          %dma_wait3A_72 = arith.constant 0 : i32
          %dma_wait3A_73 = arith.constant 0 : i32
          %dma_wait3A_74 = tpu.memref_slice %arg4[%dma_wait3A_72, %dma_wait3A_73] : memref<10000x128xf32, #tpu.memory_space<hbm>> -> memref<10000x128xf32, #tpu.memory_space<hbm>>
          tpu.wait_indirect_dma semaphore(%arg11 : memref<!tpu.dma_semaphore, #tpu.memory_space<semaphore_mem>>) src(%dma_wait3A_74 : memref<10000x128xf32, #tpu.memory_space<hbm>>) dst(%dma_wait3A_68 : memref<128x128xf32, #tpu.memory_space<vmem>>)
          %run_scoped3A = arith.constant 0 : i32
          "tpu.region"() ({
            %run_scoped3A_106 = tpu.sem_alloc : memref<!tpu.dma_semaphore, #tpu.memory_space<semaphore_mem>>
            %dma_start3A_107 = arith.constant 0 : i32
            %dma_start3A_108 = arith.constant 0 : i32
            %dma_start3A_109 = tpu.memref_slice %arg9[%run_scoped3A, %dma_start3A_107, %dma_start3A_108] : memref<2x128x128xf32, #tpu.memory_space<vmem>> -> memref<1x128x128xf32, #tpu.memory_space<vmem>>
            %dma_start3A_110 = tpu.memref_squeeze %dma_start3A_109 : memref<1x128x128xf32, #tpu.memory_space<vmem>> -> memref<128x128xf32, #tpu.memory_space<vmem>>
            %dma_start3A_111 = arith.constant 0 : i32
            %dma_start3A_112 = tpu.memref_slice %arg8[%add3A_64, %dma_start3A_111] : memref<32x128xi32, #tpu.memory_space<vmem>> -> memref<1x128xi32, #tpu.memory_space<vmem>>
            %dma_start3A_113 = tpu.memref_squeeze %dma_start3A_112 : memref<1x128xi32, #tpu.memory_space<vmem>> -> memref<128xi32, #tpu.memory_space<vmem>>
            %dma_start3A_114 = arith.constant 0 : i32
            %dma_start3A_115 = arith.constant 0 : i32
            %dma_start3A_116 = tpu.memref_slice %arg10[%dma_start3A_114, %dma_start3A_115] : memref<10240x128xf32, #tpu.memory_space<vmem_shared>> -> memref<10240x128xf32, #tpu.memory_space<vmem_shared>>
            tpu.enqueue_indirect_dma source(%dma_start3A_110 : memref<128x128xf32, #tpu.memory_space<vmem>>) target(%dma_start3A_116 : memref<10240x128xf32, #tpu.memory_space<vmem_shared>>) offsets(%dma_start3A_113 : memref<128xi32, #tpu.memory_space<vmem>>) semaphore(%run_scoped3A_106 : memref<!tpu.dma_semaphore, #tpu.memory_space<semaphore_mem>>) {add = true}
            %dma_wait3A_117 = arith.constant 0 : i32
            %dma_wait3A_118 = arith.constant 0 : i32
            %dma_wait3A_119 = tpu.memref_slice %arg9[%run_scoped3A, %dma_wait3A_117, %dma_wait3A_118] : memref<2x128x128xf32, #tpu.memory_space<vmem>> -> memref<1x128x128xf32, #tpu.memory_space<vmem>>
            %dma_wait3A_120 = tpu.memref_squeeze %dma_wait3A_119 : memref<1x128x128xf32, #tpu.memory_space<vmem>> -> memref<128x128xf32, #tpu.memory_space<vmem>>
            %dma_wait3A_121 = arith.constant 0 : i32
            %dma_wait3A_122 = tpu.memref_slice %arg8[%add3A_64, %dma_wait3A_121] : memref<32x128xi32, #tpu.memory_space<vmem>> -> memref<1x128xi32, #tpu.memory_space<vmem>>
            %dma_wait3A_123 = tpu.memref_squeeze %dma_wait3A_122 : memref<1x128xi32, #tpu.memory_space<vmem>> -> memref<128xi32, #tpu.memory_space<vmem>>
            %dma_wait3A_124 = arith.constant 0 : i32
            %dma_wait3A_125 = arith.constant 0 : i32
            %dma_wait3A_126 = tpu.memref_slice %arg10[%dma_wait3A_124, %dma_wait3A_125] : memref<10240x128xf32, #tpu.memory_space<vmem_shared>> -> memref<10240x128xf32, #tpu.memory_space<vmem_shared>>
            tpu.wait_indirect_dma semaphore(%run_scoped3A_106 : memref<!tpu.dma_semaphore, #tpu.memory_space<semaphore_mem>>) src(%dma_wait3A_120 : memref<128x128xf32, #tpu.memory_space<vmem>>) dst(%dma_wait3A_126 : memref<10240x128xf32, #tpu.memory_space<vmem_shared>>)
            tpu.yield
          }) : () -> ()
          %add3A_75 = arith.constant 2 : i32
          %add3A_76 = arith.addi %add3A_64, %add3A_75 : i32
          %lt3A_77 = arith.constant 32 : i32
          %lt3A_78 = arith.cmpi slt, %add3A_76, %lt3A_77 : i32
          %convert_element_type3A_79 = arith.extui %lt3A_78 : i1 to i32
          %cond3A_80 = arith.constant 0 : i32
          %cond3A_81 = arith.cmpi ne, %convert_element_type3A_79, %cond3A_80 : i32
          scf.if %cond3A_81 {
            %add3A_106 = arith.constant 2 : i32
            %add3A_107 = arith.addi %add3A_64, %add3A_106 : i32
            %dma_start3A_108 = arith.constant 0 : i32
            %dma_start3A_109 = arith.constant 0 : i32
            %dma_start3A_110 = arith.constant 0 : i32
            %dma_start3A_111 = tpu.memref_slice %arg9[%dma_start3A_108, %dma_start3A_109, %dma_start3A_110] : memref<2x128x128xf32, #tpu.memory_space<vmem>> -> memref<1x128x128xf32, #tpu.memory_space<vmem>>
            %dma_start3A_112 = tpu.memref_squeeze %dma_start3A_111 : memref<1x128x128xf32, #tpu.memory_space<vmem>> -> memref<128x128xf32, #tpu.memory_space<vmem>>
            %dma_start3A_113 = arith.constant 0 : i32
            %dma_start3A_114 = tpu.memref_slice %arg7[%add3A_107, %dma_start3A_113] : memref<32x128xi32, #tpu.memory_space<vmem>> -> memref<1x128xi32, #tpu.memory_space<vmem>>
            %dma_start3A_115 = tpu.memref_squeeze %dma_start3A_114 : memref<1x128xi32, #tpu.memory_space<vmem>> -> memref<128xi32, #tpu.memory_space<vmem>>
            %dma_start3A_116 = arith.constant 0 : i32
            %dma_start3A_117 = arith.constant 0 : i32
            %dma_start3A_118 = tpu.memref_slice %arg4[%dma_start3A_116, %dma_start3A_117] : memref<10000x128xf32, #tpu.memory_space<hbm>> -> memref<10000x128xf32, #tpu.memory_space<hbm>>
            tpu.enqueue_indirect_dma source(%dma_start3A_118 : memref<10000x128xf32, #tpu.memory_space<hbm>>) target(%dma_start3A_112 : memref<128x128xf32, #tpu.memory_space<vmem>>) offsets(%dma_start3A_115 : memref<128xi32, #tpu.memory_space<vmem>>) semaphore(%arg11 : memref<!tpu.dma_semaphore, #tpu.memory_space<semaphore_mem>>)
          } else {
          }
          %mul3A_82 = arith.constant 2 : i32
          %mul3A_83 = arith.muli %mul3A_82, %scan3A_59 : i32
          %add3A_84 = arith.constant 1 : i32
          %add3A_85 = arith.addi %mul3A_83, %add3A_84 : i32
          %dma_wait3A_86 = arith.constant 1 : i32
          %dma_wait3A_87 = arith.constant 0 : i32
          %dma_wait3A_88 = arith.constant 0 : i32
          %dma_wait3A_89 = tpu.memref_slice %arg9[%dma_wait3A_86, %dma_wait3A_87, %dma_wait3A_88] : memref<2x128x128xf32, #tpu.memory_space<vmem>> -> memref<1x128x128xf32, #tpu.memory_space<vmem>>
          %dma_wait3A_90 = tpu.memref_squeeze %dma_wait3A_89 : memref<1x128x128xf32, #tpu.memory_space<vmem>> -> memref<128x128xf32, #tpu.memory_space<vmem>>
          %dma_wait3A_91 = arith.constant 0 : i32
          %dma_wait3A_92 = tpu.memref_slice %arg7[%add3A_85, %dma_wait3A_91] : memref<32x128xi32, #tpu.memory_space<vmem>> -> memref<1x128xi32, #tpu.memory_space<vmem>>
          %dma_wait3A_93 = tpu.memref_squeeze %dma_wait3A_92 : memref<1x128xi32, #tpu.memory_space<vmem>> -> memref<128xi32, #tpu.memory_space<vmem>>
          %dma_wait3A_94 = arith.constant 0 : i32
          %dma_wait3A_95 = arith.constant 0 : i32
          %dma_wait3A_96 = tpu.memref_slice %arg4[%dma_wait3A_94, %dma_wait3A_95] : memref<10000x128xf32, #tpu.memory_space<hbm>> -> memref<10000x128xf32, #tpu.memory_space<hbm>>
          tpu.wait_indirect_dma semaphore(%arg12 : memref<!tpu.dma_semaphore, #tpu.memory_space<semaphore_mem>>) src(%dma_wait3A_96 : memref<10000x128xf32, #tpu.memory_space<hbm>>) dst(%dma_wait3A_90 : memref<128x128xf32, #tpu.memory_space<vmem>>)
          %run_scoped3A_97 = arith.constant 1 : i32
          "tpu.region"() ({
            %run_scoped3A_106 = tpu.sem_alloc : memref<!tpu.dma_semaphore, #tpu.memory_space<semaphore_mem>>
            %dma_start3A_107 = arith.constant 0 : i32
            %dma_start3A_108 = arith.constant 0 : i32
            %dma_start3A_109 = tpu.memref_slice %arg9[%run_scoped3A_97, %dma_start3A_107, %dma_start3A_108] : memref<2x128x128xf32, #tpu.memory_space<vmem>> -> memref<1x128x128xf32, #tpu.memory_space<vmem>>
            %dma_start3A_110 = tpu.memref_squeeze %dma_start3A_109 : memref<1x128x128xf32, #tpu.memory_space<vmem>> -> memref<128x128xf32, #tpu.memory_space<vmem>>
            %dma_start3A_111 = arith.constant 0 : i32
            %dma_start3A_112 = tpu.memref_slice %arg8[%add3A_85, %dma_start3A_111] : memref<32x128xi32, #tpu.memory_space<vmem>> -> memref<1x128xi32, #tpu.memory_space<vmem>>
            %dma_start3A_113 = tpu.memref_squeeze %dma_start3A_112 : memref<1x128xi32, #tpu.memory_space<vmem>> -> memref<128xi32, #tpu.memory_space<vmem>>
            %dma_start3A_114 = arith.constant 0 : i32
            %dma_start3A_115 = arith.constant 0 : i32
            %dma_start3A_116 = tpu.memref_slice %arg10[%dma_start3A_114, %dma_start3A_115] : memref<10240x128xf32, #tpu.memory_space<vmem_shared>> -> memref<10240x128xf32, #tpu.memory_space<vmem_shared>>
            tpu.enqueue_indirect_dma source(%dma_start3A_110 : memref<128x128xf32, #tpu.memory_space<vmem>>) target(%dma_start3A_116 : memref<10240x128xf32, #tpu.memory_space<vmem_shared>>) offsets(%dma_start3A_113 : memref<128xi32, #tpu.memory_space<vmem>>) semaphore(%run_scoped3A_106 : memref<!tpu.dma_semaphore, #tpu.memory_space<semaphore_mem>>) {add = true}
            %dma_wait3A_117 = arith.constant 0 : i32
            %dma_wait3A_118 = arith.constant 0 : i32
            %dma_wait3A_119 = tpu.memref_slice %arg9[%run_scoped3A_97, %dma_wait3A_117, %dma_wait3A_118] : memref<2x128x128xf32, #tpu.memory_space<vmem>> -> memref<1x128x128xf32, #tpu.memory_space<vmem>>
            %dma_wait3A_120 = tpu.memref_squeeze %dma_wait3A_119 : memref<1x128x128xf32, #tpu.memory_space<vmem>> -> memref<128x128xf32, #tpu.memory_space<vmem>>
            %dma_wait3A_121 = arith.constant 0 : i32
            %dma_wait3A_122 = tpu.memref_slice %arg8[%add3A_85, %dma_wait3A_121] : memref<32x128xi32, #tpu.memory_space<vmem>> -> memref<1x128xi32, #tpu.memory_space<vmem>>
            %dma_wait3A_123 = tpu.memref_squeeze %dma_wait3A_122 : memref<1x128xi32, #tpu.memory_space<vmem>> -> memref<128xi32, #tpu.memory_space<vmem>>
            %dma_wait3A_124 = arith.constant 0 : i32
            %dma_wait3A_125 = arith.constant 0 : i32
            %dma_wait3A_126 = tpu.memref_slice %arg10[%dma_wait3A_124, %dma_wait3A_125] : memref<10240x128xf32, #tpu.memory_space<vmem_shared>> -> memref<10240x128xf32, #tpu.memory_space<vmem_shared>>
            tpu.wait_indirect_dma semaphore(%run_scoped3A_106 : memref<!tpu.dma_semaphore, #tpu.memory_space<semaphore_mem>>) src(%dma_wait3A_120 : memref<128x128xf32, #tpu.memory_space<vmem>>) dst(%dma_wait3A_126 : memref<10240x128xf32, #tpu.memory_space<vmem_shared>>)
            tpu.yield
          }) : () -> ()
          %add3A_98 = arith.constant 2 : i32
          %add3A_99 = arith.addi %add3A_85, %add3A_98 : i32
          %lt3A_100 = arith.constant 32 : i32
          %lt3A_101 = arith.cmpi slt, %add3A_99, %lt3A_100 : i32
          %convert_element_type3A_102 = arith.extui %lt3A_101 : i1 to i32
          %cond3A_103 = arith.constant 0 : i32
          %cond3A_104 = arith.cmpi ne, %convert_element_type3A_102, %cond3A_103 : i32
          scf.if %cond3A_104 {
            %add3A_106 = arith.constant 2 : i32
            %add3A_107 = arith.addi %add3A_85, %add3A_106 : i32
            %dma_start3A_108 = arith.constant 1 : i32
            %dma_start3A_109 = arith.constant 0 : i32
            %dma_start3A_110 = arith.constant 0 : i32
            %dma_start3A_111 = tpu.memref_slice %arg9[%dma_start3A_108, %dma_start3A_109, %dma_start3A_110] : memref<2x128x128xf32, #tpu.memory_space<vmem>> -> memref<1x128x128xf32, #tpu.memory_space<vmem>>
            %dma_start3A_112 = tpu.memref_squeeze %dma_start3A_111 : memref<1x128x128xf32, #tpu.memory_space<vmem>> -> memref<128x128xf32, #tpu.memory_space<vmem>>
            %dma_start3A_113 = arith.constant 0 : i32
            %dma_start3A_114 = tpu.memref_slice %arg7[%add3A_107, %dma_start3A_113] : memref<32x128xi32, #tpu.memory_space<vmem>> -> memref<1x128xi32, #tpu.memory_space<vmem>>
            %dma_start3A_115 = tpu.memref_squeeze %dma_start3A_114 : memref<1x128xi32, #tpu.memory_space<vmem>> -> memref<128xi32, #tpu.memory_space<vmem>>
            %dma_start3A_116 = arith.constant 0 : i32
            %dma_start3A_117 = arith.constant 0 : i32
            %dma_start3A_118 = tpu.memref_slice %arg4[%dma_start3A_116, %dma_start3A_117] : memref<10000x128xf32, #tpu.memory_space<hbm>> -> memref<10000x128xf32, #tpu.memory_space<hbm>>
            tpu.enqueue_indirect_dma source(%dma_start3A_118 : memref<10000x128xf32, #tpu.memory_space<hbm>>) target(%dma_start3A_112 : memref<128x128xf32, #tpu.memory_space<vmem>>) offsets(%dma_start3A_115 : memref<128xi32, #tpu.memory_space<vmem>>) semaphore(%arg12 : memref<!tpu.dma_semaphore, #tpu.memory_space<semaphore_mem>>)
          } else {
          }
          %scan3A_105 = arith.constant 0 : i32
          scf.yield %scan3A_105 : i32
        }
        %scan3A_58 = arith.constant 16 : i32
      } else {
      }
      %scan3A_25 = arith.constant 0 : i32
      scf.yield %scan3A_25 : i32
    }
    %scan3A_16 = arith.constant 4 : i32
    %barrier3A_17 = arith.constant 0 : index
    tpu.barrier barrier_id(%barrier3A_17)
    %mul3A_18 = arith.constant 640 : i32
    %mul3A_19 = arith.muli %arg1, %mul3A_18 : i32
    %mul3A_20 = arith.constant 640 : i32
    %mul3A_21 = arith.muli %arg1, %mul3A_20 : i32
    "tpu.region"() ({
      %run_scoped3A = tpu.sem_alloc : memref<!tpu.dma_semaphore, #tpu.memory_space<semaphore_mem>>
      %dma_start3A = arith.constant 0 : i32
      %dma_start3A_22 = tpu.memref_slice %arg6[%arg0, %mul3A_21, %dma_start3A] : memref<2x10240x128xf32, #tpu.memory_space<hbm>> -> memref<1x640x128xf32, #tpu.memory_space<hbm>>
      %dma_start3A_23 = tpu.memref_squeeze %dma_start3A_22 : memref<1x640x128xf32, #tpu.memory_space<hbm>> -> memref<640x128xf32, #tpu.memory_space<hbm>>
      %dma_start3A_24 = arith.constant 0 : i32
      %dma_start3A_25 = tpu.memref_slice %arg10[%mul3A_19, %dma_start3A_24] : memref<10240x128xf32, #tpu.memory_space<vmem_shared>> -> memref<640x128xf32, #tpu.memory_space<vmem_shared>>
      tpu.enqueue_dma source(%dma_start3A_25 : memref<640x128xf32, #tpu.memory_space<vmem_shared>>) target(%dma_start3A_23 : memref<640x128xf32, #tpu.memory_space<hbm>>) target_semaphore(%run_scoped3A : memref<!tpu.dma_semaphore, #tpu.memory_space<semaphore_mem>>)
      %dma_wait3A = arith.constant 0 : i32
      %dma_wait3A_26 = tpu.memref_slice %arg6[%arg0, %mul3A_21, %dma_wait3A] : memref<2x10240x128xf32, #tpu.memory_space<hbm>> -> memref<1x640x128xf32, #tpu.memory_space<hbm>>
      %dma_wait3A_27 = tpu.memref_squeeze %dma_wait3A_26 : memref<1x640x128xf32, #tpu.memory_space<hbm>> -> memref<640x128xf32, #tpu.memory_space<hbm>>
      %dma_wait3A_28 = arith.constant 0 : i32
      %dma_wait3A_29 = tpu.memref_slice %arg10[%mul3A_19, %dma_wait3A_28] : memref<10240x128xf32, #tpu.memory_space<vmem_shared>> -> memref<640x128xf32, #tpu.memory_space<vmem_shared>>
      tpu.wait_dma2 semaphore(%run_scoped3A : memref<!tpu.dma_semaphore, #tpu.memory_space<semaphore_mem>>) src(%dma_wait3A_29 : memref<640x128xf32, #tpu.memory_space<vmem_shared>>) dst(%dma_wait3A_27 : memref<640x128xf32, #tpu.memory_space<hbm>>)
      tpu.yield
    }) : () -> ()
    return
  }
}

#map = affine_map<(d0, d1) -> (0, 0)>
#map1 = affine_map<(d0, d1) -> (0, 0, 0)>
module attributes {stable_mosaic.version = 14 : i64} {
  func.func @_scatter_body(%arg0: i32, %arg1: i32, %arg2: memref<2560x128xi32, #tpu.memory_space<hbm>>, %arg3: memref<2560x128xi32, #tpu.memory_space<hbm>>, %arg4: memref<10000x128xf32, #tpu.memory_space<hbm>>, %arg5: memref<640x128xf32, #tpu.memory_space<hbm>>, %arg6: memref<2x10240x128xf32, #tpu.memory_space<hbm>>, %arg7: memref<32x128xi32, #tpu.memory_space<vmem>>, %arg8: memref<32x128xi32, #tpu.memory_space<vmem>>, %arg9: memref<2x128x128xf32, #tpu.memory_space<vmem>>, %arg10: memref<10240x128xf32, #tpu.memory_space<vmem_shared>>, %arg11: memref<!tpu.dma_semaphore, #tpu.memory_space<semaphore_mem>>, %arg12: memref<!tpu.dma_semaphore, #tpu.memory_space<semaphore_mem>>, %arg13: memref<!tpu.dma_semaphore, #tpu.memory_space<semaphore_mem>>, %arg14: memref<!tpu.dma_semaphore, #tpu.memory_space<semaphore_mem>>) attributes {dimension_semantics = [#tpu.dimension_semantics<core_parallel>, #tpu.dimension_semantics<subcore_parallel>], iteration_bounds = array<i64: 2, 16>, scalar_prefetch = 0 : i64, scratch_operands = 8 : i64, tpu.core_type = #tpu.core_type<sc_vector_subcore>, window_params = [{transform_indices = #map}, {transform_indices = #map}, {transform_indices = #map}, {transform_indices = #map}, {transform_indices = #map1}]} {
    %mul3A = arith.constant 640 : i32
    %mul3A_0 = arith.muli %arg1, %mul3A : i32
    "tpu.region"() ({
      %run_scoped3A = tpu.sem_alloc : memref<!tpu.dma_semaphore, #tpu.memory_space<semaphore_mem>>
      %dma_start3A = arith.constant 0 : i32
      %dma_start3A_22 = tpu.memref_slice %arg10[%mul3A_0, %dma_start3A] : memref<10240x128xf32, #tpu.memory_space<vmem_shared>> -> memref<640x128xf32, #tpu.memory_space<vmem_shared>>
      tpu.enqueue_dma source(%arg5 : memref<640x128xf32, #tpu.memory_space<hbm>>) target(%dma_start3A_22 : memref<640x128xf32, #tpu.memory_space<vmem_shared>>) target_semaphore(%run_scoped3A : memref<!tpu.dma_semaphore, #tpu.memory_space<semaphore_mem>>)
      %dma_wait3A = arith.constant 0 : i32
      %dma_wait3A_23 = tpu.memref_slice %arg10[%mul3A_0, %dma_wait3A] : memref<10240x128xf32, #tpu.memory_space<vmem_shared>> -> memref<640x128xf32, #tpu.memory_space<vmem_shared>>
      tpu.wait_dma2 semaphore(%run_scoped3A : memref<!tpu.dma_semaphore, #tpu.memory_space<semaphore_mem>>) src(%arg5 : memref<640x128xf32, #tpu.memory_space<hbm>>) dst(%dma_wait3A_23 : memref<640x128xf32, #tpu.memory_space<vmem_shared>>)
      tpu.yield
    }) : () -> ()
    %barrier3A = arith.constant 0 : index
    tpu.barrier barrier_id(%barrier3A)
    %eq3A = arith.constant 0 : i32
    %eq3A_1 = arith.cmpi eq, %arg0, %eq3A : i32
    %mul3A_2 = arith.constant 128 : i32
    %mul3A_3 = arith.muli %arg1, %mul3A_2 : i32
    %mul3A_4 = arith.constant 32 : i32
    %mul3A_5 = arith.muli %arg1, %mul3A_4 : i32
    %add3A = arith.constant 2048 : i32
    %add3A_6 = arith.addi %add3A, %mul3A_5 : i32
    %select_n3A = arith.select %eq3A_1, %mul3A_3, %add3A_6 : i32
    %eq3A_7 = arith.constant 0 : i32
    %eq3A_8 = arith.cmpi eq, %arg0, %eq3A_7 : i32
    %jit3A = arith.constant 4 : i32
    %jit3A_9 = arith.constant 1 : i32
    %select_n3A_10 = arith.select %eq3A_8, %jit3A, %jit3A_9 : i32
    %scan3A = arith.constant 0 : i32
    %scan3A_11 = arith.constant 0 : i32
    %scan3A_12 = arith.constant 4 : i32
    %scan3A_13 = arith.addi %scan3A_11, %scan3A_12 : i32
    %scan3A_14 = arith.constant 1 : i32
    %scan3A_15 = scf.for %scan3A_22 = %scan3A_11 to %scan3A_13 step %scan3A_14 iter_args(%scan3A_23 = %scan3A) -> (i32)  : i32 {
      %lt3A = arith.cmpi slt, %scan3A_22, %select_n3A_10 : i32
      %convert_element_type3A = arith.extui %lt3A : i1 to i32
      %cond3A = arith.constant 0 : i32
      %cond3A_24 = arith.cmpi ne, %convert_element_type3A, %cond3A : i32
      scf.if %cond3A_24 {
        %mul3A_26 = arith.constant 32 : i32
        %mul3A_27 = arith.muli %scan3A_22, %mul3A_26 : i32
        %add3A_28 = arith.addi %select_n3A, %mul3A_27 : i32
        "tpu.region"() ({
          %run_scoped3A = tpu.sem_alloc : memref<!tpu.dma_semaphore, #tpu.memory_space<semaphore_mem>>
          %dma_start3A_59 = arith.constant 0 : i32
          %dma_start3A_60 = tpu.memref_slice %arg2[%add3A_28, %dma_start3A_59] : memref<2560x128xi32, #tpu.memory_space<hbm>> -> memref<32x128xi32, #tpu.memory_space<hbm>>
          %dma_start3A_61 = arith.constant 0 : i32
          %dma_start3A_62 = tpu.memref_slice %arg2[%add3A_28, %dma_start3A_61] : memref<2560x128xi32, #tpu.memory_space<hbm>> -> memref<32x128xi32, #tpu.memory_space<hbm>>
          tpu.enqueue_dma source(%dma_start3A_62 : memref<32x128xi32, #tpu.memory_space<hbm>>) target(%arg7 : memref<32x128xi32, #tpu.memory_space<vmem>>) target_semaphore(%run_scoped3A : memref<!tpu.dma_semaphore, #tpu.memory_space<semaphore_mem>>)
          %dma_wait3A = arith.constant 0 : i32
          %dma_wait3A_63 = tpu.memref_slice %arg2[%add3A_28, %dma_wait3A] : memref<2560x128xi32, #tpu.memory_space<hbm>> -> memref<32x128xi32, #tpu.memory_space<hbm>>
          %dma_wait3A_64 = arith.constant 0 : i32
          %dma_wait3A_65 = tpu.memref_slice %arg2[%add3A_28, %dma_wait3A_64] : memref<2560x128xi32, #tpu.memory_space<hbm>> -> memref<32x128xi32, #tpu.memory_space<hbm>>
          tpu.wait_dma2 semaphore(%run_scoped3A : memref<!tpu.dma_semaphore, #tpu.memory_space<semaphore_mem>>) src(%dma_wait3A_65 : memref<32x128xi32, #tpu.memory_space<hbm>>) dst(%arg7 : memref<32x128xi32, #tpu.memory_space<vmem>>)
          tpu.yield
        }) : () -> ()
        "tpu.region"() ({
          %run_scoped3A = tpu.sem_alloc : memref<!tpu.dma_semaphore, #tpu.memory_space<semaphore_mem>>
          %dma_start3A_59 = arith.constant 0 : i32
          %dma_start3A_60 = tpu.memref_slice %arg3[%add3A_28, %dma_start3A_59] : memref<2560x128xi32, #tpu.memory_space<hbm>> -> memref<32x128xi32, #tpu.memory_space<hbm>>
          %dma_start3A_61 = arith.constant 0 : i32
          %dma_start3A_62 = tpu.memref_slice %arg3[%add3A_28, %dma_start3A_61] : memref<2560x128xi32, #tpu.memory_space<hbm>> -> memref<32x128xi32, #tpu.memory_space<hbm>>
          tpu.enqueue_dma source(%dma_start3A_62 : memref<32x128xi32, #tpu.memory_space<hbm>>) target(%arg8 : memref<32x128xi32, #tpu.memory_space<vmem>>) target_semaphore(%run_scoped3A : memref<!tpu.dma_semaphore, #tpu.memory_space<semaphore_mem>>)
          %dma_wait3A = arith.constant 0 : i32
          %dma_wait3A_63 = tpu.memref_slice %arg3[%add3A_28, %dma_wait3A] : memref<2560x128xi32, #tpu.memory_space<hbm>> -> memref<32x128xi32, #tpu.memory_space<hbm>>
          %dma_wait3A_64 = arith.constant 0 : i32
          %dma_wait3A_65 = tpu.memref_slice %arg3[%add3A_28, %dma_wait3A_64] : memref<2560x128xi32, #tpu.memory_space<hbm>> -> memref<32x128xi32, #tpu.memory_space<hbm>>
          tpu.wait_dma2 semaphore(%run_scoped3A : memref<!tpu.dma_semaphore, #tpu.memory_space<semaphore_mem>>) src(%dma_wait3A_65 : memref<32x128xi32, #tpu.memory_space<hbm>>) dst(%arg8 : memref<32x128xi32, #tpu.memory_space<vmem>>)
          tpu.yield
        }) : () -> ()
        %dma_start3A = arith.constant 0 : i32
        %dma_start3A_29 = arith.constant 0 : i32
        %dma_start3A_30 = arith.constant 0 : i32
        %dma_start3A_31 = arith.constant 0 : i32
        %dma_start3A_32 = tpu.memref_slice %arg9[%dma_start3A_29, %dma_start3A_30, %dma_start3A_31] : memref<2x128x128xf32, #tpu.memory_space<vmem>> -> memref<1x128x128xf32, #tpu.memory_space<vmem>>
        %dma_start3A_33 = tpu.memref_squeeze %dma_start3A_32 : memref<1x128x128xf32, #tpu.memory_space<vmem>> -> memref<128x128xf32, #tpu.memory_space<vmem>>
        %dma_start3A_34 = arith.constant 0 : i32
        %dma_start3A_35 = tpu.memref_slice %arg7[%dma_start3A, %dma_start3A_34] : memref<32x128xi32, #tpu.memory_space<vmem>> -> memref<1x128xi32, #tpu.memory_space<vmem>>
        %dma_start3A_36 = tpu.memref_squeeze %dma_start3A_35 : memref<1x128xi32, #tpu.memory_space<vmem>> -> memref<128xi32, #tpu.memory_space<vmem>>
        %dma_start3A_37 = arith.constant 0 : i32
        %dma_start3A_38 = arith.constant 0 : i32
        %dma_start3A_39 = tpu.memref_slice %arg4[%dma_start3A_37, %dma_start3A_38] : memref<10000x128xf32, #tpu.memory_space<hbm>> -> memref<10000x128xf32, #tpu.memory_space<hbm>>
        tpu.enqueue_indirect_dma source(%dma_start3A_39 : memref<10000x128xf32, #tpu.memory_space<hbm>>) target(%dma_start3A_33 : memref<128x128xf32, #tpu.memory_space<vmem>>) offsets(%dma_start3A_36 : memref<128xi32, #tpu.memory_space<vmem>>) semaphore(%arg11 : memref<!tpu.dma_semaphore, #tpu.memory_space<semaphore_mem>>)
        %dma_start3A_40 = arith.constant 1 : i32
        %dma_start3A_41 = arith.constant 1 : i32
        %dma_start3A_42 = arith.constant 0 : i32
        %dma_start3A_43 = arith.constant 0 : i32
        %dma_start3A_44 = tpu.memref_slice %arg9[%dma_start3A_41, %dma_start3A_42, %dma_start3A_43] : memref<2x128x128xf32, #tpu.memory_space<vmem>> -> memref<1x128x128xf32, #tpu.memory_space<vmem>>
        %dma_start3A_45 = tpu.memref_squeeze %dma_start3A_44 : memref<1x128x128xf32, #tpu.memory_space<vmem>> -> memref<128x128xf32, #tpu.memory_space<vmem>>
        %dma_start3A_46 = arith.constant 0 : i32
        %dma_start3A_47 = tpu.memref_slice %arg7[%dma_start3A_40, %dma_start3A_46] : memref<32x128xi32, #tpu.memory_space<vmem>> -> memref<1x128xi32, #tpu.memory_space<vmem>>
        %dma_start3A_48 = tpu.memref_squeeze %dma_start3A_47 : memref<1x128xi32, #tpu.memory_space<vmem>> -> memref<128xi32, #tpu.memory_space<vmem>>
        %dma_start3A_49 = arith.constant 0 : i32
        %dma_start3A_50 = arith.constant 0 : i32
        %dma_start3A_51 = tpu.memref_slice %arg4[%dma_start3A_49, %dma_start3A_50] : memref<10000x128xf32, #tpu.memory_space<hbm>> -> memref<10000x128xf32, #tpu.memory_space<hbm>>
        tpu.enqueue_indirect_dma source(%dma_start3A_51 : memref<10000x128xf32, #tpu.memory_space<hbm>>) target(%dma_start3A_45 : memref<128x128xf32, #tpu.memory_space<vmem>>) offsets(%dma_start3A_48 : memref<128xi32, #tpu.memory_space<vmem>>) semaphore(%arg12 : memref<!tpu.dma_semaphore, #tpu.memory_space<semaphore_mem>>)
        %scan3A_52 = arith.constant 0 : i32
        %scan3A_53 = arith.constant 0 : i32
        %scan3A_54 = arith.constant 16 : i32
        %scan3A_55 = arith.addi %scan3A_53, %scan3A_54 : i32
        %scan3A_56 = arith.constant 1 : i32
        %scan3A_57 = scf.for %scan3A_59 = %scan3A_53 to %scan3A_55 step %scan3A_56 iter_args(%scan3A_60 = %scan3A_52) -> (i32)  : i32 {
          %mul3A_61 = arith.constant 2 : i32
          %mul3A_62 = arith.muli %mul3A_61, %scan3A_59 : i32
          %add3A_63 = arith.constant 0 : i32
          %add3A_64 = arith.addi %mul3A_62, %add3A_63 : i32
          %dma_wait3A = arith.constant 0 : i32
          %dma_wait3A_65 = arith.constant 0 : i32
          %dma_wait3A_66 = arith.constant 0 : i32
          %dma_wait3A_67 = tpu.memref_slice %arg9[%dma_wait3A, %dma_wait3A_65, %dma_wait3A_66] : memref<2x128x128xf32, #tpu.memory_space<vmem>> -> memref<1x128x128xf32, #tpu.memory_space<vmem>>
          %dma_wait3A_68 = tpu.memref_squeeze %dma_wait3A_67 : memref<1x128x128xf32, #tpu.memory_space<vmem>> -> memref<128x128xf32, #tpu.memory_space<vmem>>
          %dma_wait3A_69 = arith.constant 0 : i32
          %dma_wait3A_70 = tpu.memref_slice %arg7[%add3A_64, %dma_wait3A_69] : memref<32x128xi32, #tpu.memory_space<vmem>> -> memref<1x128xi32, #tpu.memory_space<vmem>>
          %dma_wait3A_71 = tpu.memref_squeeze %dma_wait3A_70 : memref<1x128xi32, #tpu.memory_space<vmem>> -> memref<128xi32, #tpu.memory_space<vmem>>
          %dma_wait3A_72 = arith.constant 0 : i32
          %dma_wait3A_73 = arith.constant 0 : i32
          %dma_wait3A_74 = tpu.memref_slice %arg4[%dma_wait3A_72, %dma_wait3A_73] : memref<10000x128xf32, #tpu.memory_space<hbm>> -> memref<10000x128xf32, #tpu.memory_space<hbm>>
          tpu.wait_indirect_dma semaphore(%arg11 : memref<!tpu.dma_semaphore, #tpu.memory_space<semaphore_mem>>) src(%dma_wait3A_74 : memref<10000x128xf32, #tpu.memory_space<hbm>>) dst(%dma_wait3A_68 : memref<128x128xf32, #tpu.memory_space<vmem>>)
          %run_scoped3A = arith.constant 0 : i32
          "tpu.region"() ({
            %run_scoped3A_106 = tpu.sem_alloc : memref<!tpu.dma_semaphore, #tpu.memory_space<semaphore_mem>>
            %dma_start3A_107 = arith.constant 0 : i32
            %dma_start3A_108 = arith.constant 0 : i32
            %dma_start3A_109 = tpu.memref_slice %arg9[%run_scoped3A, %dma_start3A_107, %dma_start3A_108] : memref<2x128x128xf32, #tpu.memory_space<vmem>> -> memref<1x128x128xf32, #tpu.memory_space<vmem>>
            %dma_start3A_110 = tpu.memref_squeeze %dma_start3A_109 : memref<1x128x128xf32, #tpu.memory_space<vmem>> -> memref<128x128xf32, #tpu.memory_space<vmem>>
            %dma_start3A_111 = arith.constant 0 : i32
            %dma_start3A_112 = tpu.memref_slice %arg8[%add3A_64, %dma_start3A_111] : memref<32x128xi32, #tpu.memory_space<vmem>> -> memref<1x128xi32, #tpu.memory_space<vmem>>
            %dma_start3A_113 = tpu.memref_squeeze %dma_start3A_112 : memref<1x128xi32, #tpu.memory_space<vmem>> -> memref<128xi32, #tpu.memory_space<vmem>>
            %dma_start3A_114 = arith.constant 0 : i32
            %dma_start3A_115 = arith.constant 0 : i32
            %dma_start3A_116 = tpu.memref_slice %arg10[%dma_start3A_114, %dma_start3A_115] : memref<10240x128xf32, #tpu.memory_space<vmem_shared>> -> memref<10240x128xf32, #tpu.memory_space<vmem_shared>>
            tpu.enqueue_indirect_dma source(%dma_start3A_110 : memref<128x128xf32, #tpu.memory_space<vmem>>) target(%dma_start3A_116 : memref<10240x128xf32, #tpu.memory_space<vmem_shared>>) offsets(%dma_start3A_113 : memref<128xi32, #tpu.memory_space<vmem>>) semaphore(%run_scoped3A_106 : memref<!tpu.dma_semaphore, #tpu.memory_space<semaphore_mem>>) {add = true}
            %dma_wait3A_117 = arith.constant 0 : i32
            %dma_wait3A_118 = arith.constant 0 : i32
            %dma_wait3A_119 = tpu.memref_slice %arg9[%run_scoped3A, %dma_wait3A_117, %dma_wait3A_118] : memref<2x128x128xf32, #tpu.memory_space<vmem>> -> memref<1x128x128xf32, #tpu.memory_space<vmem>>
            %dma_wait3A_120 = tpu.memref_squeeze %dma_wait3A_119 : memref<1x128x128xf32, #tpu.memory_space<vmem>> -> memref<128x128xf32, #tpu.memory_space<vmem>>
            %dma_wait3A_121 = arith.constant 0 : i32
            %dma_wait3A_122 = tpu.memref_slice %arg8[%add3A_64, %dma_wait3A_121] : memref<32x128xi32, #tpu.memory_space<vmem>> -> memref<1x128xi32, #tpu.memory_space<vmem>>
            %dma_wait3A_123 = tpu.memref_squeeze %dma_wait3A_122 : memref<1x128xi32, #tpu.memory_space<vmem>> -> memref<128xi32, #tpu.memory_space<vmem>>
            %dma_wait3A_124 = arith.constant 0 : i32
            %dma_wait3A_125 = arith.constant 0 : i32
            %dma_wait3A_126 = tpu.memref_slice %arg10[%dma_wait3A_124, %dma_wait3A_125] : memref<10240x128xf32, #tpu.memory_space<vmem_shared>> -> memref<10240x128xf32, #tpu.memory_space<vmem_shared>>
            tpu.wait_indirect_dma semaphore(%run_scoped3A_106 : memref<!tpu.dma_semaphore, #tpu.memory_space<semaphore_mem>>) src(%dma_wait3A_120 : memref<128x128xf32, #tpu.memory_space<vmem>>) dst(%dma_wait3A_126 : memref<10240x128xf32, #tpu.memory_space<vmem_shared>>)
            tpu.yield
          }) : () -> ()
          %add3A_75 = arith.constant 2 : i32
          %add3A_76 = arith.addi %add3A_64, %add3A_75 : i32
          %lt3A_77 = arith.constant 32 : i32
          %lt3A_78 = arith.cmpi slt, %add3A_76, %lt3A_77 : i32
          %convert_element_type3A_79 = arith.extui %lt3A_78 : i1 to i32
          %cond3A_80 = arith.constant 0 : i32
          %cond3A_81 = arith.cmpi ne, %convert_element_type3A_79, %cond3A_80 : i32
          scf.if %cond3A_81 {
            %add3A_106 = arith.constant 2 : i32
            %add3A_107 = arith.addi %add3A_64, %add3A_106 : i32
            %dma_start3A_108 = arith.constant 0 : i32
            %dma_start3A_109 = arith.constant 0 : i32
            %dma_start3A_110 = arith.constant 0 : i32
            %dma_start3A_111 = tpu.memref_slice %arg9[%dma_start3A_108, %dma_start3A_109, %dma_start3A_110] : memref<2x128x128xf32, #tpu.memory_space<vmem>> -> memref<1x128x128xf32, #tpu.memory_space<vmem>>
            %dma_start3A_112 = tpu.memref_squeeze %dma_start3A_111 : memref<1x128x128xf32, #tpu.memory_space<vmem>> -> memref<128x128xf32, #tpu.memory_space<vmem>>
            %dma_start3A_113 = arith.constant 0 : i32
            %dma_start3A_114 = tpu.memref_slice %arg7[%add3A_107, %dma_start3A_113] : memref<32x128xi32, #tpu.memory_space<vmem>> -> memref<1x128xi32, #tpu.memory_space<vmem>>
            %dma_start3A_115 = tpu.memref_squeeze %dma_start3A_114 : memref<1x128xi32, #tpu.memory_space<vmem>> -> memref<128xi32, #tpu.memory_space<vmem>>
            %dma_start3A_116 = arith.constant 0 : i32
            %dma_start3A_117 = arith.constant 0 : i32
            %dma_start3A_118 = tpu.memref_slice %arg4[%dma_start3A_116, %dma_start3A_117] : memref<10000x128xf32, #tpu.memory_space<hbm>> -> memref<10000x128xf32, #tpu.memory_space<hbm>>
            tpu.enqueue_indirect_dma source(%dma_start3A_118 : memref<10000x128xf32, #tpu.memory_space<hbm>>) target(%dma_start3A_112 : memref<128x128xf32, #tpu.memory_space<vmem>>) offsets(%dma_start3A_115 : memref<128xi32, #tpu.memory_space<vmem>>) semaphore(%arg11 : memref<!tpu.dma_semaphore, #tpu.memory_space<semaphore_mem>>)
          } else {
          }
          %mul3A_82 = arith.constant 2 : i32
          %mul3A_83 = arith.muli %mul3A_82, %scan3A_59 : i32
          %add3A_84 = arith.constant 1 : i32
          %add3A_85 = arith.addi %mul3A_83, %add3A_84 : i32
          %dma_wait3A_86 = arith.constant 1 : i32
          %dma_wait3A_87 = arith.constant 0 : i32
          %dma_wait3A_88 = arith.constant 0 : i32
          %dma_wait3A_89 = tpu.memref_slice %arg9[%dma_wait3A_86, %dma_wait3A_87, %dma_wait3A_88] : memref<2x128x128xf32, #tpu.memory_space<vmem>> -> memref<1x128x128xf32, #tpu.memory_space<vmem>>
          %dma_wait3A_90 = tpu.memref_squeeze %dma_wait3A_89 : memref<1x128x128xf32, #tpu.memory_space<vmem>> -> memref<128x128xf32, #tpu.memory_space<vmem>>
          %dma_wait3A_91 = arith.constant 0 : i32
          %dma_wait3A_92 = tpu.memref_slice %arg7[%add3A_85, %dma_wait3A_91] : memref<32x128xi32, #tpu.memory_space<vmem>> -> memref<1x128xi32, #tpu.memory_space<vmem>>
          %dma_wait3A_93 = tpu.memref_squeeze %dma_wait3A_92 : memref<1x128xi32, #tpu.memory_space<vmem>> -> memref<128xi32, #tpu.memory_space<vmem>>
          %dma_wait3A_94 = arith.constant 0 : i32
          %dma_wait3A_95 = arith.constant 0 : i32
          %dma_wait3A_96 = tpu.memref_slice %arg4[%dma_wait3A_94, %dma_wait3A_95] : memref<10000x128xf32, #tpu.memory_space<hbm>> -> memref<10000x128xf32, #tpu.memory_space<hbm>>
          tpu.wait_indirect_dma semaphore(%arg12 : memref<!tpu.dma_semaphore, #tpu.memory_space<semaphore_mem>>) src(%dma_wait3A_96 : memref<10000x128xf32, #tpu.memory_space<hbm>>) dst(%dma_wait3A_90 : memref<128x128xf32, #tpu.memory_space<vmem>>)
          %run_scoped3A_97 = arith.constant 1 : i32
          "tpu.region"() ({
            %run_scoped3A_106 = tpu.sem_alloc : memref<!tpu.dma_semaphore, #tpu.memory_space<semaphore_mem>>
            %dma_start3A_107 = arith.constant 0 : i32
            %dma_start3A_108 = arith.constant 0 : i32
            %dma_start3A_109 = tpu.memref_slice %arg9[%run_scoped3A_97, %dma_start3A_107, %dma_start3A_108] : memref<2x128x128xf32, #tpu.memory_space<vmem>> -> memref<1x128x128xf32, #tpu.memory_space<vmem>>
            %dma_start3A_110 = tpu.memref_squeeze %dma_start3A_109 : memref<1x128x128xf32, #tpu.memory_space<vmem>> -> memref<128x128xf32, #tpu.memory_space<vmem>>
            %dma_start3A_111 = arith.constant 0 : i32
            %dma_start3A_112 = tpu.memref_slice %arg8[%add3A_85, %dma_start3A_111] : memref<32x128xi32, #tpu.memory_space<vmem>> -> memref<1x128xi32, #tpu.memory_space<vmem>>
            %dma_start3A_113 = tpu.memref_squeeze %dma_start3A_112 : memref<1x128xi32, #tpu.memory_space<vmem>> -> memref<128xi32, #tpu.memory_space<vmem>>
            %dma_start3A_114 = arith.constant 0 : i32
            %dma_start3A_115 = arith.constant 0 : i32
            %dma_start3A_116 = tpu.memref_slice %arg10[%dma_start3A_114, %dma_start3A_115] : memref<10240x128xf32, #tpu.memory_space<vmem_shared>> -> memref<10240x128xf32, #tpu.memory_space<vmem_shared>>
            tpu.enqueue_indirect_dma source(%dma_start3A_110 : memref<128x128xf32, #tpu.memory_space<vmem>>) target(%dma_start3A_116 : memref<10240x128xf32, #tpu.memory_space<vmem_shared>>) offsets(%dma_start3A_113 : memref<128xi32, #tpu.memory_space<vmem>>) semaphore(%run_scoped3A_106 : memref<!tpu.dma_semaphore, #tpu.memory_space<semaphore_mem>>) {add = true}
            %dma_wait3A_117 = arith.constant 0 : i32
            %dma_wait3A_118 = arith.constant 0 : i32
            %dma_wait3A_119 = tpu.memref_slice %arg9[%run_scoped3A_97, %dma_wait3A_117, %dma_wait3A_118] : memref<2x128x128xf32, #tpu.memory_space<vmem>> -> memref<1x128x128xf32, #tpu.memory_space<vmem>>
            %dma_wait3A_120 = tpu.memref_squeeze %dma_wait3A_119 : memref<1x128x128xf32, #tpu.memory_space<vmem>> -> memref<128x128xf32, #tpu.memory_space<vmem>>
            %dma_wait3A_121 = arith.constant 0 : i32
            %dma_wait3A_122 = tpu.memref_slice %arg8[%add3A_85, %dma_wait3A_121] : memref<32x128xi32, #tpu.memory_space<vmem>> -> memref<1x128xi32, #tpu.memory_space<vmem>>
            %dma_wait3A_123 = tpu.memref_squeeze %dma_wait3A_122 : memref<1x128xi32, #tpu.memory_space<vmem>> -> memref<128xi32, #tpu.memory_space<vmem>>
            %dma_wait3A_124 = arith.constant 0 : i32
            %dma_wait3A_125 = arith.constant 0 : i32
            %dma_wait3A_126 = tpu.memref_slice %arg10[%dma_wait3A_124, %dma_wait3A_125] : memref<10240x128xf32, #tpu.memory_space<vmem_shared>> -> memref<10240x128xf32, #tpu.memory_space<vmem_shared>>
            tpu.wait_indirect_dma semaphore(%run_scoped3A_106 : memref<!tpu.dma_semaphore, #tpu.memory_space<semaphore_mem>>) src(%dma_wait3A_120 : memref<128x128xf32, #tpu.memory_space<vmem>>) dst(%dma_wait3A_126 : memref<10240x128xf32, #tpu.memory_space<vmem_shared>>)
            tpu.yield
          }) : () -> ()
          %add3A_98 = arith.constant 2 : i32
          %add3A_99 = arith.addi %add3A_85, %add3A_98 : i32
          %lt3A_100 = arith.constant 32 : i32
          %lt3A_101 = arith.cmpi slt, %add3A_99, %lt3A_100 : i32
          %convert_element_type3A_102 = arith.extui %lt3A_101 : i1 to i32
          %cond3A_103 = arith.constant 0 : i32
          %cond3A_104 = arith.cmpi ne, %convert_element_type3A_102, %cond3A_103 : i32
          scf.if %cond3A_104 {
            %add3A_106 = arith.constant 2 : i32
            %add3A_107 = arith.addi %add3A_85, %add3A_106 : i32
            %dma_start3A_108 = arith.constant 1 : i32
            %dma_start3A_109 = arith.constant 0 : i32
            %dma_start3A_110 = arith.constant 0 : i32
            %dma_start3A_111 = tpu.memref_slice %arg9[%dma_start3A_108, %dma_start3A_109, %dma_start3A_110] : memref<2x128x128xf32, #tpu.memory_space<vmem>> -> memref<1x128x128xf32, #tpu.memory_space<vmem>>
            %dma_start3A_112 = tpu.memref_squeeze %dma_start3A_111 : memref<1x128x128xf32, #tpu.memory_space<vmem>> -> memref<128x128xf32, #tpu.memory_space<vmem>>
            %dma_start3A_113 = arith.constant 0 : i32
            %dma_start3A_114 = tpu.memref_slice %arg7[%add3A_107, %dma_start3A_113] : memref<32x128xi32, #tpu.memory_space<vmem>> -> memref<1x128xi32, #tpu.memory_space<vmem>>
            %dma_start3A_115 = tpu.memref_squeeze %dma_start3A_114 : memref<1x128xi32, #tpu.memory_space<vmem>> -> memref<128xi32, #tpu.memory_space<vmem>>
            %dma_start3A_116 = arith.constant 0 : i32
            %dma_start3A_117 = arith.constant 0 : i32
            %dma_start3A_118 = tpu.memref_slice %arg4[%dma_start3A_116, %dma_start3A_117] : memref<10000x128xf32, #tpu.memory_space<hbm>> -> memref<10000x128xf32, #tpu.memory_space<hbm>>
            tpu.enqueue_indirect_dma source(%dma_start3A_118 : memref<10000x128xf32, #tpu.memory_space<hbm>>) target(%dma_start3A_112 : memref<128x128xf32, #tpu.memory_space<vmem>>) offsets(%dma_start3A_115 : memref<128xi32, #tpu.memory_space<vmem>>) semaphore(%arg12 : memref<!tpu.dma_semaphore, #tpu.memory_space<semaphore_mem>>)
          } else {
          }
          %scan3A_105 = arith.constant 0 : i32
          scf.yield %scan3A_105 : i32
        }
        %scan3A_58 = arith.constant 16 : i32
      } else {
      }
      %scan3A_25 = arith.constant 0 : i32
      scf.yield %scan3A_25 : i32
    }
    %scan3A_16 = arith.constant 4 : i32
    %barrier3A_17 = arith.constant 0 : index
    tpu.barrier barrier_id(%barrier3A_17)
    %mul3A_18 = arith.constant 640 : i32
    %mul3A_19 = arith.muli %arg1, %mul3A_18 : i32
    %mul3A_20 = arith.constant 640 : i32
    %mul3A_21 = arith.muli %arg1, %mul3A_20 : i32
    "tpu.region"() ({
      %run_scoped3A = tpu.sem_alloc : memref<!tpu.dma_semaphore, #tpu.memory_space<semaphore_mem>>
      %dma_start3A = arith.constant 0 : i32
      %dma_start3A_22 = tpu.memref_slice %arg6[%arg0, %mul3A_21, %dma_start3A] : memref<2x10240x128xf32, #tpu.memory_space<hbm>> -> memref<1x640x128xf32, #tpu.memory_space<hbm>>
      %dma_start3A_23 = tpu.memref_squeeze %dma_start3A_22 : memref<1x640x128xf32, #tpu.memory_space<hbm>> -> memref<640x128xf32, #tpu.memory_space<hbm>>
      %dma_start3A_24 = arith.constant 0 : i32
      %dma_start3A_25 = tpu.memref_slice %arg10[%mul3A_19, %dma_start3A_24] : memref<10240x128xf32, #tpu.memory_space<vmem_shared>> -> memref<640x128xf32, #tpu.memory_space<vmem_shared>>
      tpu.enqueue_dma source(%dma_start3A_25 : memref<640x128xf32, #tpu.memory_space<vmem_shared>>) target(%dma_start3A_23 : memref<640x128xf32, #tpu.memory_space<hbm>>) target_semaphore(%run_scoped3A : memref<!tpu.dma_semaphore, #tpu.memory_space<semaphore_mem>>)
      %dma_wait3A = arith.constant 0 : i32
      %dma_wait3A_26 = tpu.memref_slice %arg6[%arg0, %mul3A_21, %dma_wait3A] : memref<2x10240x128xf32, #tpu.memory_space<hbm>> -> memref<1x640x128xf32, #tpu.memory_space<hbm>>
      %dma_wait3A_27 = tpu.memref_squeeze %dma_wait3A_26 : memref<1x640x128xf32, #tpu.memory_space<hbm>> -> memref<640x128xf32, #tpu.memory_space<hbm>>
      %dma_wait3A_28 = arith.constant 0 : i32
      %dma_wait3A_29 = tpu.memref_slice %arg10[%mul3A_19, %dma_wait3A_28] : memref<10240x128xf32, #tpu.memory_space<vmem_shared>> -> memref<640x128xf32, #tpu.memory_space<vmem_shared>>
      tpu.wait_dma2 semaphore(%run_scoped3A : memref<!tpu.dma_semaphore, #tpu.memory_space<semaphore_mem>>) src(%dma_wait3A_29 : memref<640x128xf32, #tpu.memory_space<vmem_shared>>) dst(%dma_wait3A_27 : memref<640x128xf32, #tpu.memory_space<hbm>>)
      tpu.yield
    }) : () -> ()
    return
  }
}

module attributes {stable_mosaic.version = 14 : i64} {
  func.func @_mm_scale_body(%arg0: i32, %arg1: memref<400x128xf32, #tpu.memory_space<vmem>>, %arg2: memref<128x128xf32, #tpu.memory_space<vmem>>, %arg3: memref<400x1xf32, #tpu.memory_space<vmem>>, %arg4: memref<400x128xf32, #tpu.memory_space<vmem>>) attributes {dimension_semantics = [#tpu.dimension_semantics<arbitrary>], iteration_bounds = array<i64: 25>, scalar_prefetch = 0 : i64, scratch_operands = 0 : i64, tpu.core_type = #tpu.core_type<tc>, window_params = [{transform_indices = @transform_0, window_bounds = array<i64: 400, 128>}, {pipeline_mode = #tpu.pipeline_mode<synchronous>, transform_indices = @transform_1, window_bounds = array<i64: 128, 128>}, {transform_indices = @transform_2, window_bounds = array<i64: 400, 1>}, {transform_indices = @transform_3, window_bounds = array<i64: 400, 128>}]} {
    %get3A = arith.constant 0 : index
    %get3A_0 = arith.constant 0 : index
    %get3A_1 = vector.load %arg1[%get3A, %get3A_0] : memref<400x128xf32, #tpu.memory_space<vmem>>, vector<400x128xf32>
    %get3A_2 = arith.constant 0 : index
    %get3A_3 = arith.constant 0 : index
    %get3A_4 = vector.load %arg2[%get3A_2, %get3A_3] : memref<128x128xf32, #tpu.memory_space<vmem>>, vector<128x128xf32>
    %dot_general3A = arith.constant dense<0.000000e+00> : vector<400x128xf32>
    %dot_general3A_5 = tpu.matmul %get3A_1, %get3A_4, %dot_general3A {dimension_numbers = #tpu.dot_dimension_numbers<[1], [0], [0], [1], [0, 0, 1, 1], [], []>, transpose_lhs_hint = false} : vector<400x128xf32>, vector<128x128xf32>, vector<400x128xf32> -> vector<400x128xf32>
    %get3A_6 = arith.constant 0 : index
    %get3A_7 = arith.constant 0 : index
    %get3A_8 = vector.load %arg3[%get3A_6, %get3A_7] : memref<400x1xf32, #tpu.memory_space<vmem>>, vector<400x1xf32>
    %mul3A = vector.broadcast %get3A_8 : vector<400x1xf32> to vector<400x128xf32>
    %mul3A_9 = arith.mulf %dot_general3A_5, %mul3A : vector<400x128xf32>
    %swap3A = arith.constant 0 : index
    %swap3A_10 = arith.constant 0 : index
    %swap3A_11 = vector.load %arg4[%swap3A, %swap3A_10] : memref<400x128xf32, #tpu.memory_space<vmem>>, vector<400x128xf32>
    tpu.vector_store %arg4[%swap3A, %swap3A_10], %mul3A_9 {strides = array<i32>} : memref<400x128xf32, #tpu.memory_space<vmem>>, vector<400x128xf32>,
    return
  }
  func.func @transform_0(%arg0: i32) -> (i32, i32) {
    %c0_i32 = arith.constant 0 : i32
    %c0_i32_0 = arith.constant 0 : i32
    return %arg0, %c0_i32 : i32, i32
  }
  func.func @transform_1(%arg0: i32) -> (i32, i32) {
    %c0_i32 = arith.constant 0 : i32
    %c0_i32_0 = arith.constant 0 : i32
    %c0_i32_1 = arith.constant 0 : i32
    return %c0_i32, %c0_i32_0 : i32, i32
  }
  func.func @transform_2(%arg0: i32) -> (i32, i32) {
    %c0_i32 = arith.constant 0 : i32
    %c0_i32_0 = arith.constant 0 : i32
    return %arg0, %c0_i32 : i32, i32
  }
  func.func @transform_3(%arg0: i32) -> (i32, i32) {
    %c0_i32 = arith.constant 0 : i32
    %c0_i32_0 = arith.constant 0 : i32
    return %arg0, %c0_i32 : i32, i32
  }
}

module attributes {stable_mosaic.version = 14 : i64} {
  func.func @_combine_mm_body(%arg0: i32, %arg1: memref<2x400x128xf32, #tpu.memory_space<vmem>>, %arg2: memref<400x128xf32, #tpu.memory_space<vmem>>, %arg3: memref<400x1xf32, #tpu.memory_space<vmem>>, %arg4: memref<1x128xf32, #tpu.memory_space<vmem>>, %arg5: memref<128x128xf32, #tpu.memory_space<vmem>>, %arg6: memref<400x128xf32, #tpu.memory_space<vmem>>) attributes {dimension_semantics = [#tpu.dimension_semantics<arbitrary>], iteration_bounds = array<i64: 25>, scalar_prefetch = 0 : i64, scratch_operands = 0 : i64, tpu.core_type = #tpu.core_type<tc>, window_params = [{transform_indices = @transform_0, window_bounds = array<i64: 2, 400, 128>}, {transform_indices = @transform_1, window_bounds = array<i64: 400, 128>}, {transform_indices = @transform_2, window_bounds = array<i64: 400, 1>}, {pipeline_mode = #tpu.pipeline_mode<synchronous>, transform_indices = @transform_3, window_bounds = array<i64: 1, 128>}, {pipeline_mode = #tpu.pipeline_mode<synchronous>, transform_indices = @transform_4, window_bounds = array<i64: 128, 128>}, {transform_indices = @transform_5, window_bounds = array<i64: 400, 128>}]} {
    %get3A = arith.constant 0 : index
    %get3A_0 = arith.constant 0 : index
    %get3A_1 = arith.constant 0 : index
    %get3A_2 = vector.load %arg1[%get3A, %get3A_0, %get3A_1] : memref<2x400x128xf32, #tpu.memory_space<vmem>>, vector<1x400x128xf32>
    %get3A_3 = vector.shape_cast %get3A_2 : vector<1x400x128xf32> to vector<400x128xf32>
    %get3A_4 = arith.constant 1 : index
    %get3A_5 = arith.constant 0 : index
    %get3A_6 = arith.constant 0 : index
    %get3A_7 = vector.load %arg1[%get3A_4, %get3A_5, %get3A_6] : memref<2x400x128xf32, #tpu.memory_space<vmem>>, vector<1x400x128xf32>
    %get3A_8 = vector.shape_cast %get3A_7 : vector<1x400x128xf32> to vector<400x128xf32>
    %add3A = arith.addf %get3A_3, %get3A_8 : vector<400x128xf32>
    %get3A_9 = arith.constant 0 : index
    %get3A_10 = arith.constant 0 : index
    %get3A_11 = vector.load %arg2[%get3A_9, %get3A_10] : memref<400x128xf32, #tpu.memory_space<vmem>>, vector<400x128xf32>
    %add3A_12 = arith.addf %add3A, %get3A_11 : vector<400x128xf32>
    %get3A_13 = arith.constant 0 : index
    %get3A_14 = arith.constant 0 : index
    %get3A_15 = vector.load %arg3[%get3A_13, %get3A_14] : memref<400x1xf32, #tpu.memory_space<vmem>>, vector<400x1xf32>
    %mul3A = vector.broadcast %get3A_15 : vector<400x1xf32> to vector<400x128xf32>
    %mul3A_16 = arith.mulf %add3A_12, %mul3A : vector<400x128xf32>
    %get3A_17 = arith.constant 0 : index
    %get3A_18 = arith.constant 0 : index
    %get3A_19 = vector.load %arg4[%get3A_17, %get3A_18] : memref<1x128xf32, #tpu.memory_space<vmem>>, vector<1x128xf32>
    %add3A_20 = vector.broadcast %get3A_19 : vector<1x128xf32> to vector<400x128xf32>
    %add3A_21 = arith.addf %mul3A_16, %add3A_20 : vector<400x128xf32>
    %max3A = arith.constant 0.000000e+00 : f32
    %max3A_22 = vector.broadcast %max3A : f32 to vector<400x128xf32>
    %max3A_23 = arith.maximumf %add3A_21, %max3A_22 : vector<400x128xf32>
    %get3A_24 = arith.constant 0 : index
    %get3A_25 = arith.constant 0 : index
    %get3A_26 = vector.load %arg5[%get3A_24, %get3A_25] : memref<128x128xf32, #tpu.memory_space<vmem>>, vector<128x128xf32>
    %dot_general3A = arith.constant dense<0.000000e+00> : vector<400x128xf32>
    %dot_general3A_27 = tpu.matmul %max3A_23, %get3A_26, %dot_general3A {dimension_numbers = #tpu.dot_dimension_numbers<[1], [0], [0], [1], [0, 0, 1, 1], [], []>, transpose_lhs_hint = false} : vector<400x128xf32>, vector<128x128xf32>, vector<400x128xf32> -> vector<400x128xf32>
    %get3A_28 = arith.constant 0 : index
    %get3A_29 = arith.constant 0 : index
    %get3A_30 = vector.load %arg3[%get3A_28, %get3A_29] : memref<400x1xf32, #tpu.memory_space<vmem>>, vector<400x1xf32>
    %mul3A_31 = vector.broadcast %get3A_30 : vector<400x1xf32> to vector<400x128xf32>
    %mul3A_32 = arith.mulf %dot_general3A_27, %mul3A_31 : vector<400x128xf32>
    %swap3A = arith.constant 0 : index
    %swap3A_33 = arith.constant 0 : index
    %swap3A_34 = vector.load %arg6[%swap3A, %swap3A_33] : memref<400x128xf32, #tpu.memory_space<vmem>>, vector<400x128xf32>
    tpu.vector_store %arg6[%swap3A, %swap3A_33], %mul3A_32 {strides = array<i32>} : memref<400x128xf32, #tpu.memory_space<vmem>>, vector<400x128xf32>,
    return
  }
  func.func @transform_0(%arg0: i32) -> (i32, i32, i32) {
    %c0_i32 = arith.constant 0 : i32
    %c0_i32_0 = arith.constant 0 : i32
    %c0_i32_1 = arith.constant 0 : i32
    return %c0_i32, %arg0, %c0_i32_0 : i32, i32, i32
  }
  func.func @transform_1(%arg0: i32) -> (i32, i32) {
    %c0_i32 = arith.constant 0 : i32
    %c0_i32_0 = arith.constant 0 : i32
    return %arg0, %c0_i32 : i32, i32
  }
  func.func @transform_2(%arg0: i32) -> (i32, i32) {
    %c0_i32 = arith.constant 0 : i32
    %c0_i32_0 = arith.constant 0 : i32
    return %arg0, %c0_i32 : i32, i32
  }
  func.func @transform_3(%arg0: i32) -> (i32, i32) {
    %c0_i32 = arith.constant 0 : i32
    %c0_i32_0 = arith.constant 0 : i32
    %c0_i32_1 = arith.constant 0 : i32
    return %c0_i32, %c0_i32_0 : i32, i32
  }
  func.func @transform_4(%arg0: i32) -> (i32, i32) {
    %c0_i32 = arith.constant 0 : i32
    %c0_i32_0 = arith.constant 0 : i32
    %c0_i32_1 = arith.constant 0 : i32
    return %c0_i32, %c0_i32_0 : i32, i32
  }
  func.func @transform_5(%arg0: i32) -> (i32, i32) {
    %c0_i32 = arith.constant 0 : i32
    %c0_i32_0 = arith.constant 0 : i32
    return %arg0, %c0_i32 : i32, i32
  }
}

module attributes {stable_mosaic.version = 14 : i64} {
  func.func @_combine_body(%arg0: i32, %arg1: memref<2x400x128xf32, #tpu.memory_space<vmem>>, %arg2: memref<400x128xf32, #tpu.memory_space<vmem>>, %arg3: memref<400x1xf32, #tpu.memory_space<vmem>>, %arg4: memref<1x128xf32, #tpu.memory_space<vmem>>, %arg5: memref<400x128xf32, #tpu.memory_space<vmem>>) attributes {dimension_semantics = [#tpu.dimension_semantics<arbitrary>], iteration_bounds = array<i64: 25>, scalar_prefetch = 0 : i64, scratch_operands = 0 : i64, tpu.core_type = #tpu.core_type<tc>, window_params = [{transform_indices = @transform_0, window_bounds = array<i64: 2, 400, 128>}, {transform_indices = @transform_1, window_bounds = array<i64: 400, 128>}, {transform_indices = @transform_2, window_bounds = array<i64: 400, 1>}, {pipeline_mode = #tpu.pipeline_mode<synchronous>, transform_indices = @transform_3, window_bounds = array<i64: 1, 128>}, {transform_indices = @transform_4, window_bounds = array<i64: 400, 128>}]} {
    %get3A = arith.constant 0 : index
    %get3A_0 = arith.constant 0 : index
    %get3A_1 = arith.constant 0 : index
    %get3A_2 = vector.load %arg1[%get3A, %get3A_0, %get3A_1] : memref<2x400x128xf32, #tpu.memory_space<vmem>>, vector<1x400x128xf32>
    %get3A_3 = vector.shape_cast %get3A_2 : vector<1x400x128xf32> to vector<400x128xf32>
    %get3A_4 = arith.constant 1 : index
    %get3A_5 = arith.constant 0 : index
    %get3A_6 = arith.constant 0 : index
    %get3A_7 = vector.load %arg1[%get3A_4, %get3A_5, %get3A_6] : memref<2x400x128xf32, #tpu.memory_space<vmem>>, vector<1x400x128xf32>
    %get3A_8 = vector.shape_cast %get3A_7 : vector<1x400x128xf32> to vector<400x128xf32>
    %add3A = arith.addf %get3A_3, %get3A_8 : vector<400x128xf32>
    %get3A_9 = arith.constant 0 : index
    %get3A_10 = arith.constant 0 : index
    %get3A_11 = vector.load %arg2[%get3A_9, %get3A_10] : memref<400x128xf32, #tpu.memory_space<vmem>>, vector<400x128xf32>
    %add3A_12 = arith.addf %add3A, %get3A_11 : vector<400x128xf32>
    %get3A_13 = arith.constant 0 : index
    %get3A_14 = arith.constant 0 : index
    %get3A_15 = vector.load %arg3[%get3A_13, %get3A_14] : memref<400x1xf32, #tpu.memory_space<vmem>>, vector<400x1xf32>
    %mul3A = vector.broadcast %get3A_15 : vector<400x1xf32> to vector<400x128xf32>
    %mul3A_16 = arith.mulf %add3A_12, %mul3A : vector<400x128xf32>
    %get3A_17 = arith.constant 0 : index
    %get3A_18 = arith.constant 0 : index
    %get3A_19 = vector.load %arg4[%get3A_17, %get3A_18] : memref<1x128xf32, #tpu.memory_space<vmem>>, vector<1x128xf32>
    %add3A_20 = vector.broadcast %get3A_19 : vector<1x128xf32> to vector<400x128xf32>
    %add3A_21 = arith.addf %mul3A_16, %add3A_20 : vector<400x128xf32>
    %swap3A = arith.constant 0 : index
    %swap3A_22 = arith.constant 0 : index
    %swap3A_23 = vector.load %arg5[%swap3A, %swap3A_22] : memref<400x128xf32, #tpu.memory_space<vmem>>, vector<400x128xf32>
    tpu.vector_store %arg5[%swap3A, %swap3A_22], %add3A_21 {strides = array<i32>} : memref<400x128xf32, #tpu.memory_space<vmem>>, vector<400x128xf32>,
    return
  }
  func.func @transform_0(%arg0: i32) -> (i32, i32, i32) {
    %c0_i32 = arith.constant 0 : i32
    %c0_i32_0 = arith.constant 0 : i32
    %c0_i32_1 = arith.constant 0 : i32
    return %c0_i32, %arg0, %c0_i32_0 : i32, i32, i32
  }
  func.func @transform_1(%arg0: i32) -> (i32, i32) {
    %c0_i32 = arith.constant 0 : i32
    %c0_i32_0 = arith.constant 0 : i32
    return %arg0, %c0_i32 : i32, i32
  }
  func.func @transform_2(%arg0: i32) -> (i32, i32) {
    %c0_i32 = arith.constant 0 : i32
    %c0_i32_0 = arith.constant 0 : i32
    return %arg0, %c0_i32 : i32, i32
  }
  func.func @transform_3(%arg0: i32) -> (i32, i32) {
    %c0_i32 = arith.constant 0 : i32
    %c0_i32_0 = arith.constant 0 : i32
    %c0_i32_1 = arith.constant 0 : i32
    return %c0_i32, %c0_i32_0 : i32, i32
  }
  func.func @transform_4(%arg0: i32) -> (i32, i32) {
    %c0_i32 = arith.constant 0 : i32
    %c0_i32_0 = arith.constant 0 : i32
    return %arg0, %c0_i32 : i32, i32
  }
}

</mosaic_0001>

<sc_bundles>
// kernel: kernel.11.cloned.1.call-start
scs
__scs_entry_jumppad:
0x0: {  	(pc) =	sbr.rel $0x88, $3  }
0x1: {  	(tag) =	ssettag $0x0;
	lr =	simm.s32 $0x1  }
0x2: {  	[smem:$0x3F9B] =	sst lr;
	_ =	strace $0xD0000000  }
0x3: {  	_ = 	snop  }
0x4: {  	_ = 	snop  }
0x5: {  	_ = 	snop  }
0x6: {  	_ = 	snop  }
0x7: {  	_ = 	snop  }
__scs_overlays_trampoline_lowered:
0x8: {  	[smem:$0x3FAA] =	sst s0  }
0x9: {  	[smem:$0x3FAB] =	sst s1  }
0xa: {  	[smem:$0x3FAC] =	sst s2  }
0xb: {  	[smem:$0x3FAD] =	sst s3  }
0xc: {  	[smem:$0x3FAE] =	sst s4  }
0xd: {  	[smem:$0x3FAF] =	sst s5  }
0xe: {  	[smem:$0x3FB0] =	sst s6  }
0xf: {  	[smem:$0x3FB1] =	sst s7  }
0x10: {  	[smem:$0x3FB2] =	sst s8  }
0x11: {  	[smem:$0x3FB3] =	sst s9;
	s0 =	simm.s32 @!p0 $0x0  }
0x12: {  	s1 =	sld [smem:$0x3F99];
	s0 =	simm.s32 @p0 $0x1  }
0x13: {  	[smem:$0x3FB4] =	sst s0;
	s0 =	simm.s32 @!p1 $0x0  }
0x14: {  	s2 =	sld [smem:$0x3F98];
	s0 =	simm.s32 @p1 $0x1  }
0x15: {  	[smem:$0x3FB5] =	sst s0;
	s0 =	simm.s32 @!p2 $0x0  }
0x16: {  	s3 =	sld [smem:$0x3FDB];
	s0 =	simm.s32 @p2 $0x1  }
0x17: {  	s4 =	simm.s32 $0x1BF5;
	[smem:$0x3FB7] =	sst s0  }
0x18: {  	s0 =	sld [smem:$0x3F9A];
	_ =	swait.ge [sflag:s4], $0x0  }
0x19: {  	s7 =	sld [smem:$0x3F9B]  }
0x1a: {  	s8 =	sadd.s32 $0xFFFFE003, lr  }
0x1b: {  	s9 =	sadd.s32 $0xFFFFFEF7, lr;
	s5 =	simm.s32 $0xFFFFFFFF;
	p2 =	slt.u32 s8, $0xFFFFF086  }
0x1c: {  	p1 =	slt.u32 s9, $0xF7A;
	s5 =	simm.s32 @!p2 $0x0  }
0x1d: {  	s5 =	simm.s32 @p1 $0x1;
	p0 =	seq.s32 s7, s2  }
0x1e: {  	s7 =	smul.u32 @!p0 $0xF7A, s2;
	p2 =	seq.s32 @!p0 s5, $0x0  }
0x1f: {  	s9 =	smul.u32 $0xF7A, s1;
	s8 =	simm.s32 @!p0 $0x1BF5;
	p2 =	por !p2, p0  }
0x20: {  	[sflag:s8] =	ssyncset.s32 @!p0 $0xFFFFF086;
	s6 =	sadd.s32 @!p0 s3, s7;
	s7 =	simm.s32 @!p0 $0x108  }
0x21: {  	s3 =	sadd.s32 s3, s9;
	s6 =	sadd.s32 @!p0 $0x88, s6;
	s7 =	simm.s32 @p2 $0x1082  }
0x22: {  	[simem:s7], [sflag:s8] =	dma.local @!p0 [hbm:s6], $0xF7A  }
0x23: {  	s9 =	sor.u32 $0xD0000000, s2;
	s6 =	simm.s32 $0x108;
	_ =	swait.ge @!p0 [sflag:s8], $0x0  }
0x24: {  	s3 =	sadd.s32 $0x88, s3;
	s6 =	simm.s32 @!p1 $0x1082;
	[sflag:s4] =	ssyncset.s32 $0xFFFFF086  }
0x25: {  	[simem:s6], [sflag:s4] =	dma.local [hbm:s3], $0xF7A  }
0x26: {  	[smem:$0x3F9B] =	sst s1;
	(tag) =	ssettag s2;
	_ =	strace s9  }
0x27: {  	s1 =	sld [smem:$0x3FAB]  }
0x28: {  	s2 =	sld [smem:$0x3FAC]  }
0x29: {  	s4 =	sld [smem:$0x3FAE]  }
0x2a: {  	p0 =	seq.s32 s5, $0x0;
	s5 =	sld [smem:$0x3FAF]  }
0x2b: {  	s6 =	sld [smem:$0x3FB0]  }
0x2c: {  	s7 =	sld [smem:$0x3FB1]  }
0x2d: {  	s3 =	simm.s32 $0x108;
	s8 =	sld [smem:$0x3FB2]  }
0x2e: {  	s3 =	simm.s32 @!p0 $0x1082;
	s9 =	sld [smem:$0x3FB3]  }
0x2f: {  	lr =	sadd.s32 s0, s3;
	s0 =	sld [smem:$0x3FAA]  }
0x30: {  	s3 =	sld [smem:$0x3FAD]  }
0x31: {  	[smem:$0x3FB6] =	sst s10  }
0x32: {  	s10 =	sld [smem:$0x3FB4];
	_ =	sdelay $0x3  }
0x33: {  	p0 =	seq.s32 s10, $0x1;
	s10 =	sld [smem:$0x3FB6];
	_ =	sdelay $0x3  }
0x34: {  	[smem:$0x3FB6] =	sst s10  }
0x35: {  	s10 =	sld [smem:$0x3FB5];
	_ =	sdelay $0x3  }
0x36: {  	p1 =	seq.s32 s10, $0x1;
	s10 =	sld [smem:$0x3FB6];
	_ =	sdelay $0x3  }
0x37: {  	[smem:$0x3FB6] =	sst s10  }
0x38: {  	s10 =	sld [smem:$0x3FB7]  }
0x39: {  	_ = 	snop;
	(pc) =	sbr.ind lr, $3  }
0x3a: {  	_ = 	snop  }
0x3b: {  	_ = 	snop  }
0x3c: {  	p2 =	seq.s32 s10, $0x1;
	s10 =	sld [smem:$0x3FB6]  }
0x3d: {  	_ =	shalt  }
0x3e: {  	_ =	shalt  }
0x3f: {  	_ =	shalt  }
0x40: {  	_ =	shalt  }
0x41: {  	_ =	shalt  }
0x42: {  	_ =	shalt  }
0x43: {  	_ =	shalt  }
0x44: {  	_ =	shalt  }
0x45: {  	_ =	shalt  }
0x46: {  	_ =	shalt  }
0x47: {  	_ =	shalt  }
0x48: {  	_ =	shalt  }
0x49: {  	_ =	shalt  }
0x4a: {  	_ =	shalt  }
0x4b: {  	_ =	shalt  }
0x4c: {  	_ =	shalt  }
0x4d: {  	_ =	shalt  }
0x4e: {  	_ =	shalt  }
0x4f: {  	_ =	shalt  }
0x50: {  	_ =	shalt  }
0x51: {  	_ =	shalt  }
0x52: {  	_ =	shalt  }
0x53: {  	_ =	shalt  }
0x54: {  	_ =	shalt  }
0x55: {  	_ =	shalt  }
0x56: {  	_ =	shalt  }
0x57: {  	_ =	shalt  }
0x58: {  	_ =	shalt  }
0x59: {  	_ =	shalt  }
0x5a: {  	_ =	shalt  }
0x5b: {  	_ =	shalt  }
0x5c: {  	_ =	shalt  }
0x5d: {  	_ =	shalt  }
0x5e: {  	_ =	shalt  }
0x5f: {  	_ =	shalt  }
0x60: {  	_ =	shalt  }
0x61: {  	_ =	shalt  }
0x62: {  	_ =	shalt  }
0x63: {  	_ =	shalt  }
0x64: {  	_ =	shalt  }
0x65: {  	_ =	shalt  }
0x66: {  	_ =	shalt  }
0x67: {  	_ =	shalt  }
0x68: {  	_ =	shalt  }
0x69: {  	_ =	shalt  }
0x6a: {  	_ =	shalt  }
0x6b: {  	_ =	shalt  }
0x6c: {  	_ =	shalt  }
0x6d: {  	_ =	shalt  }
0x6e: {  	_ =	shalt  }
0x6f: {  	_ =	shalt  }
0x70: {  	_ =	shalt  }
0x71: {  	_ =	shalt  }
0x72: {  	_ =	shalt  }
0x73: {  	_ =	shalt  }
0x74: {  	_ =	shalt  }
0x75: {  	_ =	shalt  }
0x76: {  	_ =	shalt  }
0x77: {  	_ =	shalt  }
0x78: {  	_ =	shalt  }
0x79: {  	_ =	shalt  }
0x7a: {  	_ =	shalt  }
0x7b: {  	_ =	shalt  }
0x7c: {  	_ =	shalt  }
0x7d: {  	_ =	shalt  }
0x7e: {  	_ =	shalt  }
0x7f: {  	_ =	shalt  }
0x80: {  	_ =	shalt  }
0x81: {  	_ =	shalt  }
0x82: {  	_ =	shalt  }
0x83: {  	_ =	shalt  }
0x84: {  	_ =	shalt  }
0x85: {  	_ =	shalt  }
0x86: {  	_ =	shalt  }
0x87: {  	_ =	shalt  }
.Lfunc_end0:
.L_simem_size_0:
called_computation.1_lowered:
.L_overlay_start_0:
0x88: {  	s2 =	sld [smem:$0x3FD9]  }
0x89: {  	s3 =	sld [smem:$0x3FFE];
	_ =	sdelay $0x1  }
0x8a: {  	s1 =	srdreg.scid  }
0x8b: {  	s0 =	sand.u32 $0x1, s1  }
0x8c: {  	s17 =	sshll.u32 s0, $0xA;
	s2 =	sadd.s32 s3, s2  }
0x8d: {  	s2 =	sadd.s32 s2, s17  }
0x8e: {  	[smem:$0x3FC2] =	sst s2  }
0x8f: {  	_ = 	snop  }
0x90: {  	s2 =	sld [smem:$0x3FD0];
	(tm) =	ssettm $0x1  }
0x91: {  	s18 =	sld [smem:$0x3FFB];
	_ =	sdelay $0x3  }
0x92: {  	_ =	strace s18  }
0x93: {  	s3 =	sld [smem:$0x3FFC];
	_ =	sdelay $0x3  }
0x94: {  	_ =	strace s3  }
0x95: {  	s3 =	sld [smem:$0x3FFD];
	_ =	sdelay $0x3  }
0x96: {  	_ =	strace s3  }
0x97: {  	_ =	strace $0x8FFFFFFF  }
0x98: {  	s19 =	sld [smem:$0x3FDB];
	_ =	sdelay $0x1  }
0x99: {  	s4 =	simm.s32 $_scs_section_size  }
0x9a: {  	s5 =	simm.s32 $_size__tile_overlayer_lowered;
	s6 =	simm.s32 $_tile_overlayer_lowered  }
0x9b: {  	s22 =	simm.s32 $0x1BFF;
	s21 =	sshll.u32 s6, $0x1;
	s3 =	sadd.s32 s4, s19  }
0x9c: {  	s7 =	simm.s32 $0x0;
	s20 =	sshll.u32 s5, $0x1;
	s5 =	sadd.s32 s21, s3  }
0x9d: {  	[timem:s7], [sflag:s22] =	dma.local [hbm:s5], s20  }
0x9e: {  	_ =	swait.ge [sflag:s22], s20  }
0x9f: {  	s4 =	ssub.s32 $0x0, s20;
	[sflag:s22] =	ssyncset.done $0x0  }
0xa0: {  	[sflag:s22] =	ssyncadd.s32 s4;
	_ =	sdelay $0x1  }
0xa1: {  	s23 =	simm.s32 $0x1B8B  }
0xa2: {  	_ =	swait.ge [sflag:s23], $0x1  }
0xa3: {  	[sflag:s23] =	ssyncset.done $0x0  }
0xa4: {  	s25 =	simm.s32 $0x1B8E;
	s24 =	sld [smem:$0x3FFE];
	[sflag:s23] =	ssyncadd.s32 $0xFFFFFFFF  }
0xa5: {  	s26 =	simm.s32 $execute0_lowered;
	[smem:$0x3FD2] =	sst s25  }
0xa6: {  	s5 =	sshll.u32 s26, $0x1;
	_ =	strace $0x80000049;
	[dreg:$0x1] =	wrdreg $0xFFFFFFFF  }
0xa7: {  	s28 =	simm.s32 $_size_execute0_lowered;
	s3 =	sadd.s32 s3, s5;
	[dreg:$0x0] =	wrdreg $0x0  }
0xa8: {  	s5 =	sshll.u32 s28, $0x1;
	[dreg:$0x2] =	wrdreg s3  }
0xa9: {  	[dreg:$0x3] =	wrdreg s5  }
0xaa: {  	[dreg:$0x4] =	wrdreg $0xC0  }
0xab: {  	_ =	task [dreg:s7], $0x5FFFF  }
0xac: {  	[dreg:$0x1] =	wrdreg $0xFFFFFFFF  }
0xad: {  	[dreg:$0x0] =	wrdreg $0x60  }
0xae: {  	[dreg:$0x2] =	wrdreg s24  }
0xaf: {  	[dreg:$0x3] =	wrdreg s2  }
0xb0: {  	[dreg:$0x4] =	wrdreg $0xA0000  }
0xb1: {  	[dreg:$0x5] =	wrdreg $0x9  }
0xb2: {  	_ =	task.clear_ibuf [dreg:s7], $0x6FFFF;
	_ =	strace $0x90000049  }
0xb3: {  	s29 =	simm.s32 $0x9;
	_ =	strace $0x8000004B  }
0xb4: {  	_ =	swait.ge [sflag:s29], $0x1  }
0xb5: {  	[sflag:s29] =	ssyncadd.s32 $0xFFFFFFFF  }
0xb6: {  	_ =	strace $0x9000004B  }
0xb7: {  	_ =	sfence  }
0xb8: {  	s30 =	sld [smem:$0x0];
	_ =	sdelay $0x2  }
0xb9: {  	s31 =	sshll.u32 s1, $0xD;
	s1 =	sshrl.u32 s1, $0x2  }
0xba: {  	s3 =	sand.u32 $0x4000, s31;
	s1 =	sadd.s32 s1, s30  }
0xbb: {  	s0 =	sor.u32 s3, s0;
	s1 =	sshll.u32 s1, $0x11  }
0xbc: {  	s0 =	sor.u32 s1, s0  }
0xbd: {  	s0 =	sadd.s32 $0x8F2B, s0  }
0xbe: {  	[sflag:s0] =	ssyncadd.remote.s32 $0x1  }
0xbf: {  	_ =	sfence.sel $0xFFFF  }
0xc0: {  	[dreg:$0x0] =	wrdreg $0xFFFFFFFF;
	(pc) =	sbr.abs _section_cstart, $3  }
0xc1: {  	[dreg:$0x1] =	wrdreg $0xFFFFFFFF  }
0xc2: {  	_ =	task.clear_ibuf [dreg:s7], $0x2FFFF;
	_ =	strace $0x9FFFFFFF  }
0xc3: {  	(tm) =	ssettm $0x7FFFFFFF  }
tec
execute0_lowered:
.L_overlay_start_1:
0x0: {  	(tag) =	ssettag $0x1  }
0x1: {  	s8 =	rddreg [dreg:$0x0]  }
0x2: {  	s1 =	rddreg [dreg:$0x1]  }
0x3: {  	s2 =	rddreg [dreg:$0x2]  }
0x4: {  	s0 =	rddreg [dreg:$0x3]  }
0x5: {  	s4 =	simm.s32 $0x0;
	s3 =	srdreg.scid;
	s16 =	simm.s32 $0x80  }
0x6: {  	s17 =	simm.s32 $0x2000;
	s18 =	simm.s32 $0x6000;
	s19 =	simm.s32 $0x1  }
0x7: {  	s20 =	simm.s32 $0x2;
	s21 =	simm.s32 $0x1F00;
	s22 =	simm.s32 $0x1F80  }
0x8: {  	[smem:$0x7FF] =	sst s4;
	s9 =	sand.u32 $0x1, s3;
	s3 =	stileid.u32  }
0x9: {  	s5 =	sadd.s32 $0x16400, s8;
	s6 =	sadd.s32 $0xC400, s8;
	s10 =	smul.u32 $0x140000, s9  }
0xa: {  	s7 =	sadd.s32 $0x1E00, s8;
	_ =	strace $0x8000004A;
	s11 =	smul.u32 $0x14000, s3  }
0xb: {  	s12 =	smul.u32 $0x50000, s3;
	s29 =	ssub.s32 $0x2, s9;
	s30 =	sshll.u32 s3, $0x6  }
0xc: {  	p0 =	seq.s32 s9, $0x0;
	s31 =	sshll.u32 s3, $0x9;
	s9 =	simm.s32 $0x4  }
0xd: {  	s13 =	sshrl.u32 s29, $0x1;
	s9 =	simm.s32 @!p0 $0x1;
	s10 =	sadd.s32 s11, s10  }
.Ltmp0:
0xe: {  	s12 =	sshrl.u32 s12, $0x2;
	s13 =	ssub.s32 s29, s13;
	(pc) =	sbr.rel .LBB2_1-.Ltmp0, $4  }
0xf: {  	s11 =	sshll.u32 s3, $0xB;
	s10 =	sshrl.u32 s10, $0x3;
	s15 =	sadd.s32 s12, s2  }
0x10: {  	s12 =	smax.u32 s13, $0x1;
	s14 =	sadd.s32 s10, s8;
	s8 =	sor.u32 $0x8000, s31  }
0x11: {  	s10 =	sor.u32 $0x1C03, s30;
	s13 =	sshrl.u32 s15, $0x3;
	s15 =	simm.s32 $0x1000  }
0x12: {  	s8 =	smov.u32 @p0 s11;
	s11 =	sadd.s32 $0x20400, s14;
	s14 =	simm.s32 $0x3  }
.LBB2_7:
0x13: {  	s4 =	sadd.s32 $0x1, s4  }
0x14: {  	p0 =	sne.s32 s4, s12  }
.Ltmp1:
0x15: {  	[bflag:$0x0] =	sbarrier.arrive $0xFFFF;
	(pc) =	sbr.rel @!p0 .LBB2_8-.Ltmp1, $4  }
0x16: {  	[hbm:s11], [sflag:s10] =	dma.local [spmem:s13], $0x2800  }
0x17: {  	_ =	swait.ge [sflag:s14], $0x2800  }
0x18: {  	[sflag:s14] =	ssyncset.done $0x0  }
0x19: {  	[sflag:s14] =	ssyncadd.s32 $0xFFFFD800  }
.LBB2_1:
0x1a: {  	[spmem:s13], [sflag:s10] =	dma.local [hbm:s7], $0x2800  }
.Ltmp2:
0x1b: {  	_ =	swait.ge [sflag:s14], $0x2800;
	(pc) =	sbr.rel .LBB2_2-.Ltmp2, $4  }
0x1c: {  	[sflag:s14] =	ssyncset.done $0x0  }
0x1d: {  	[sflag:s14] =	ssyncadd.s32 $0xFFFFD800  }
0x1e: {  	[bflag:$0x0] =	sbarrier.arrive $0xFFFF  }
0x1f: {  	s23 =	simm.s32 $0x0  }
.LBB2_6:
0x20: {  	s23 =	sadd.s32 $0x1, s23  }
0x21: {  	p0 =	sne.s32 s23, $0x4  }
.Ltmp3:
0x22: {  	_ = 	snop;
	(pc) =	sbr.rel @!p0 .LBB2_7-.Ltmp3, $1  }
0x23: {  	_ =	sdelay $0x3  }
.LBB2_2:
0x24: {  	p0 =	sge.u32 s23, s9  }
.Ltmp4:
0x25: {  	_ = 	snop;
	(pc) =	sbr.rel @p0 .LBB2_6-.Ltmp4, $1  }
0x26: {  	_ =	sdelay $0x3  }
0x27: {  	s24 =	sshll.u32 s23, $0x9  }
0x28: {  	s24 =	sadd.s32 s8, s24  }
0x29: {  	s26 =	simm.s32 $0x0;
	s25 =	sadd.s32 s5, s24  }
0x2a: {  	[tilespmem:s26], [sflag:$0x3] =	stream.linear.gather [hbm4b:s25+s26], $0x1000, $0x38;
	[tilespmem:$0x1E000] =	vst v63  }
0x2b: {  	_ =	swait.ge [sflag:s14], $0x1000  }
0x2c: {  	[sflag:s14] =	ssyncset.done $0x0  }
0x2d: {  	s24 =	sadd.s32 s6, s24;
	[sflag:s14] =	ssyncadd.s32 $0xFFFFF000  }
0x2e: {  	[tilespmem:s15], [sflag:$0x3] =	stream.linear.gather [hbm4b:s24+s26], $0x1000, $0x38;
	[tilespmem:$0x1E000] =	vst v63  }
0x2f: {  	_ =	swait.ge [sflag:s14], $0x1000  }
0x30: {  	[sflag:s14] =	ssyncset.done $0x0  }
0x31: {  	[sflag:s14] =	ssyncadd.s32 $0xFFFFF000  }
0x32: {  	[tilespmem:s17], [sflag:$0x1] =	stream.indirect.gather [hbm4b:s1+s16], $0x80, s26, s16, $0xb8;
	[tilespmem:$0x1E000] =	vst v63  }
0x33: {  	_ = 	snop  }
0x34: {  	[tilespmem:s18], [sflag:$0x2] =	stream.indirect.gather [hbm4b:s1+s16], $0x80, s16, s16, $0xb8;
	[tilespmem:$0x1E000] =	vst v63  }
0x35: {  	_ =	swait.ge [sflag:s19], $0x4000  }
0x36: {  	[sflag:s19] =	ssyncset.done $0x0  }
0x37: {  	s29 =	simm.s32 $0x1000;
	[sflag:s19] =	ssyncadd.s32 $0xFFFFC000  }
0x38: {  	[spmem:s2] =	stream.indirect.scatter.add.f32 [tilespmem:s17], [sflag:$0x3], $0x80, s29, s16, $0xb8;
	[tilespmem:$0x1E000] =	vst v63  }
0x39: {  	_ =	swait.ge [sflag:s14], $0x4000  }
0x3a: {  	[sflag:s14] =	ssyncset.done $0x0  }
0x3b: {  	s30 =	simm.s32 $0x100;
	[sflag:s14] =	ssyncadd.s32 $0xFFFFC000  }
0x3c: {  	[tilespmem:s17], [sflag:$0x1] =	stream.indirect.gather [hbm4b:s1+s16], $0x80, s30, s16, $0xb8;
	[tilespmem:$0x1E000] =	vst v63  }
0x3d: {  	_ =	swait.ge [sflag:s20], $0x4000  }
0x3e: {  	[sflag:s20] =	ssyncset.done $0x0  }
0x3f: {  	s31 =	simm.s32 $0x1080;
	[sflag:s20] =	ssyncadd.s32 $0xFFFFC000  }
0x40: {  	[spmem:s2] =	stream.indirect.scatter.add.f32 [tilespmem:s18], [sflag:$0x3], $0x80, s31, s16, $0xb8;
	[tilespmem:$0x1E000] =	vst v63  }
0x41: {  	_ =	swait.ge [sflag:s14], $0x4000  }
0x42: {  	[sflag:s14] =	ssyncset.done $0x0  }
0x43: {  	s25 =	simm.s32 $0x180;
	s24 =	simm.s32 $0x400;
	[sflag:s14] =	ssyncadd.s32 $0xFFFFC000  }
.LBB2_4:
0x44: {  	[tilespmem:s18], [sflag:$0x2] =	stream.indirect.gather [hbm4b:s1+s16], $0x80, s25, s16, $0xb8;
	[tilespmem:$0x1E000] =	vst v63  }
0x45: {  	s25 =	smov.u32 s24  }
0x46: {  	p0 =	sne.s32 s24, $0x3800;
	s24 =	sadd.s32 $0x400, s24;
	_ =	swait.ge [sflag:s19], $0x4000  }
0x47: {  	s25 =	sshra.s32 s25, $0x2;
	[sflag:s19] =	ssyncset.done $0x0  }
0x48: {  	s26 =	sadd.s32 $0x1000, s25;
	[sflag:s19] =	ssyncadd.s32 $0xFFFFC000  }
0x49: {  	[spmem:s2] =	stream.indirect.scatter.add.f32 [tilespmem:s17], [sflag:$0x3], $0x80, s26, s16, $0xb8;
	[tilespmem:$0x1E000] =	vst v63  }
0x4a: {  	_ =	swait.ge [sflag:s14], $0x4000  }
0x4b: {  	[sflag:s14] =	ssyncset.done $0x0  }
0x4c: {  	s26 =	sadd.s32 $0x100, s25;
	[sflag:s14] =	ssyncadd.s32 $0xFFFFC000  }
0x4d: {  	[tilespmem:s17], [sflag:$0x1] =	stream.indirect.gather [hbm4b:s1+s16], $0x80, s26, s16, $0xb8;
	[tilespmem:$0x1E000] =	vst v63  }
0x4e: {  	_ =	swait.ge [sflag:s20], $0x4000  }
0x4f: {  	[sflag:s20] =	ssyncset.done $0x0  }
.Ltmp5:
0x50: {  	s26 =	sadd.s32 $0x1080, s25;
	[sflag:s20] =	ssyncadd.s32 $0xFFFFC000;
	(pc) =	sbr.rel @p0 .LBB2_4-.Ltmp5, $4  }
0x51: {  	[spmem:s2] =	stream.indirect.scatter.add.f32 [tilespmem:s18], [sflag:$0x3], $0x80, s26, s16, $0xb8;
	[tilespmem:$0x1E000] =	vst v63  }
0x52: {  	_ =	swait.ge [sflag:s14], $0x4000  }
0x53: {  	[sflag:s14] =	ssyncset.done $0x0  }
0x54: {  	s25 =	sadd.s32 $0x180, s25;
	[sflag:s14] =	ssyncadd.s32 $0xFFFFC000  }
0x55: {  	[tilespmem:s18], [sflag:$0x2] =	stream.indirect.gather [hbm4b:s1+s16], $0x80, s25, s16, $0xb8;
	[tilespmem:$0x1E000] =	vst v63  }
0x56: {  	_ =	swait.ge [sflag:s19], $0x4000  }
0x57: {  	[sflag:s19] =	ssyncset.done $0x0  }
0x58: {  	[sflag:s19] =	ssyncadd.s32 $0xFFFFC000  }
0x59: {  	[spmem:s2] =	stream.indirect.scatter.add.f32 [tilespmem:s17], [sflag:$0x3], $0x80, s21, s16, $0xb8;
	[tilespmem:$0x1E000] =	vst v63  }
0x5a: {  	_ =	swait.ge [sflag:s14], $0x4000  }
0x5b: {  	[sflag:s14] =	ssyncset.done $0x0  }
0x5c: {  	[sflag:s14] =	ssyncadd.s32 $0xFFFFC000  }
0x5d: {  	_ =	swait.ge [sflag:s20], $0x4000  }
0x5e: {  	[sflag:s20] =	ssyncset.done $0x0  }
.Ltmp6:
0x5f: {  	[sflag:s20] =	ssyncadd.s32 $0xFFFFC000;
	(pc) =	sbr.rel .LBB2_6-.Ltmp6, $4  }
0x60: {  	[spmem:s2] =	stream.indirect.scatter.add.f32 [tilespmem:s18], [sflag:$0x3], $0x80, s22, s16, $0xb8;
	[tilespmem:$0x1E000] =	vst v63  }
0x61: {  	_ =	swait.ge [sflag:s14], $0x4000  }
0x62: {  	[sflag:s14] =	ssyncset.done $0x0  }
0x63: {  	[sflag:s14] =	ssyncadd.s32 $0xFFFFC000  }
.LBB2_8:
0x64: {  	_ =	sfence.sel $0x180000  }
0x65: {  	[bflag:$0x0] =	sbarrier.arrive $0xFFFF  }
0x66: {  	p0 =	sne.s32 s3, $0x0;
	_ =	strace $0x9000004A  }
0x67: {  	s0 =	sadd.s32 @!p0 $0x100000, s0;
	[bflag:$0x2] =	sbarrier.arrive $0xFFFF  }
0x68: {  	[sflag:s0] =	ssyncadd.tile.s32 @!p0 $0x1;
	_ =	shalt  }
.Lfunc_end2:
_tile_overlayer_lowered:
.L_overlay_start_2:
0x69: {  	(tag) =	ssettag $0x2  }
0x6a: {  	s0 =	rddreg [dreg:$0x0];
	s2 =	stileid.u32  }
0x6b: {  	s1 =	rddreg [dreg:$0x1];
	p0 =	sne.s32 s2, $0x0  }
0x6c: {  	s3 =	rddreg [dreg:$0x2];
	[bflag:$0x3] =	sbarrier.arrive $0xFFFF;
	s2 =	simm.s32 @!p0 $0x1C03  }
0x6d: {  	[timem:s3], [sflag:s2] =	dma.local @!p0 [hbm:s0], s1  }
0x6e: {  	s0 =	simm.s32 @!p0 $0x3  }
0x6f: {  	_ =	swait.ge @!p0 [sflag:s0], s1  }
0x70: {  	s1 =	ssub.s32 @!p0 $0x0, s1;
	[sflag:s0] =	ssyncset.done @!p0 $0x0  }
0x71: {  	[sflag:s0] =	ssyncadd.s32 @!p0 s1  }
0x72: {  	[bflag:$0x3] =	sbarrier.arrive $0xFFFF  }
0x73: {  	_ =	shalt  }

// kernel: kernel.14.cloned.1.call-start
scs
__scs_entry_jumppad:
0x0: {  	(pc) =	sbr.rel $0x88, $3  }
0x1: {  	(tag) =	ssettag $0x0;
	lr =	simm.s32 $0x1  }
0x2: {  	[smem:$0x3F9B] =	sst lr;
	_ =	strace $0xD0000000  }
0x3: {  	_ = 	snop  }
0x4: {  	_ = 	snop  }
0x5: {  	_ = 	snop  }
0x6: {  	_ = 	snop  }
0x7: {  	_ = 	snop  }
__scs_overlays_trampoline_lowered:
0x8: {  	[smem:$0x3FAA] =	sst s0  }
0x9: {  	[smem:$0x3FAB] =	sst s1  }
0xa: {  	[smem:$0x3FAC] =	sst s2  }
0xb: {  	[smem:$0x3FAD] =	sst s3  }
0xc: {  	[smem:$0x3FAE] =	sst s4  }
0xd: {  	[smem:$0x3FAF] =	sst s5  }
0xe: {  	[smem:$0x3FB0] =	sst s6  }
0xf: {  	[smem:$0x3FB1] =	sst s7  }
0x10: {  	[smem:$0x3FB2] =	sst s8  }
0x11: {  	[smem:$0x3FB3] =	sst s9;
	s0 =	simm.s32 @!p0 $0x0  }
0x12: {  	s1 =	sld [smem:$0x3F99];
	s0 =	simm.s32 @p0 $0x1  }
0x13: {  	[smem:$0x3FB4] =	sst s0;
	s0 =	simm.s32 @!p1 $0x0  }
0x14: {  	s2 =	sld [smem:$0x3F98];
	s0 =	simm.s32 @p1 $0x1  }
0x15: {  	[smem:$0x3FB5] =	sst s0;
	s0 =	simm.s32 @!p2 $0x0  }
0x16: {  	s3 =	sld [smem:$0x3FDB];
	s0 =	simm.s32 @p2 $0x1  }
0x17: {  	s4 =	simm.s32 $0x1BF5;
	[smem:$0x3FB7] =	sst s0  }
0x18: {  	s0 =	sld [smem:$0x3F9A];
	_ =	swait.ge [sflag:s4], $0x0  }
0x19: {  	s7 =	sld [smem:$0x3F9B]  }
0x1a: {  	s8 =	sadd.s32 $0xFFFFE003, lr  }
0x1b: {  	s9 =	sadd.s32 $0xFFFFFEF7, lr;
	s5 =	simm.s32 $0xFFFFFFFF;
	p2 =	slt.u32 s8, $0xFFFFF086  }
0x1c: {  	p1 =	slt.u32 s9, $0xF7A;
	s5 =	simm.s32 @!p2 $0x0  }
0x1d: {  	s5 =	simm.s32 @p1 $0x1;
	p0 =	seq.s32 s7, s2  }
0x1e: {  	s7 =	smul.u32 @!p0 $0xF7A, s2;
	p2 =	seq.s32 @!p0 s5, $0x0  }
0x1f: {  	s9 =	smul.u32 $0xF7A, s1;
	s8 =	simm.s32 @!p0 $0x1BF5;
	p2 =	por !p2, p0  }
0x20: {  	[sflag:s8] =	ssyncset.s32 @!p0 $0xFFFFF086;
	s6 =	sadd.s32 @!p0 s3, s7;
	s7 =	simm.s32 @!p0 $0x108  }
0x21: {  	s3 =	sadd.s32 s3, s9;
	s6 =	sadd.s32 @!p0 $0x88, s6;
	s7 =	simm.s32 @p2 $0x1082  }
0x22: {  	[simem:s7], [sflag:s8] =	dma.local @!p0 [hbm:s6], $0xF7A  }
0x23: {  	s9 =	sor.u32 $0xD0000000, s2;
	s6 =	simm.s32 $0x108;
	_ =	swait.ge @!p0 [sflag:s8], $0x0  }
0x24: {  	s3 =	sadd.s32 $0x88, s3;
	s6 =	simm.s32 @!p1 $0x1082;
	[sflag:s4] =	ssyncset.s32 $0xFFFFF086  }
0x25: {  	[simem:s6], [sflag:s4] =	dma.local [hbm:s3], $0xF7A  }
0x26: {  	[smem:$0x3F9B] =	sst s1;
	(tag) =	ssettag s2;
	_ =	strace s9  }
0x27: {  	s1 =	sld [smem:$0x3FAB]  }
0x28: {  	s2 =	sld [smem:$0x3FAC]  }
0x29: {  	s4 =	sld [smem:$0x3FAE]  }
0x2a: {  	p0 =	seq.s32 s5, $0x0;
	s5 =	sld [smem:$0x3FAF]  }
0x2b: {  	s6 =	sld [smem:$0x3FB0]  }
0x2c: {  	s7 =	sld [smem:$0x3FB1]  }
0x2d: {  	s3 =	simm.s32 $0x108;
	s8 =	sld [smem:$0x3FB2]  }
0x2e: {  	s3 =	simm.s32 @!p0 $0x1082;
	s9 =	sld [smem:$0x3FB3]  }
0x2f: {  	lr =	sadd.s32 s0, s3;
	s0 =	sld [smem:$0x3FAA]  }
0x30: {  	s3 =	sld [smem:$0x3FAD]  }
0x31: {  	[smem:$0x3FB6] =	sst s10  }
0x32: {  	s10 =	sld [smem:$0x3FB4];
	_ =	sdelay $0x3  }
0x33: {  	p0 =	seq.s32 s10, $0x1;
	s10 =	sld [smem:$0x3FB6];
	_ =	sdelay $0x3  }
0x34: {  	[smem:$0x3FB6] =	sst s10  }
0x35: {  	s10 =	sld [smem:$0x3FB5];
	_ =	sdelay $0x3  }
0x36: {  	p1 =	seq.s32 s10, $0x1;
	s10 =	sld [smem:$0x3FB6];
	_ =	sdelay $0x3  }
0x37: {  	[smem:$0x3FB6] =	sst s10  }
0x38: {  	s10 =	sld [smem:$0x3FB7]  }
0x39: {  	_ = 	snop;
	(pc) =	sbr.ind lr, $3  }
0x3a: {  	_ = 	snop  }
0x3b: {  	_ = 	snop  }
0x3c: {  	p2 =	seq.s32 s10, $0x1;
	s10 =	sld [smem:$0x3FB6]  }
0x3d: {  	_ =	shalt  }
0x3e: {  	_ =	shalt  }
0x3f: {  	_ =	shalt  }
0x40: {  	_ =	shalt  }
0x41: {  	_ =	shalt  }
0x42: {  	_ =	shalt  }
0x43: {  	_ =	shalt  }
0x44: {  	_ =	shalt  }
0x45: {  	_ =	shalt  }
0x46: {  	_ =	shalt  }
0x47: {  	_ =	shalt  }
0x48: {  	_ =	shalt  }
0x49: {  	_ =	shalt  }
0x4a: {  	_ =	shalt  }
0x4b: {  	_ =	shalt  }
0x4c: {  	_ =	shalt  }
0x4d: {  	_ =	shalt  }
0x4e: {  	_ =	shalt  }
0x4f: {  	_ =	shalt  }
0x50: {  	_ =	shalt  }
0x51: {  	_ =	shalt  }
0x52: {  	_ =	shalt  }
0x53: {  	_ =	shalt  }
0x54: {  	_ =	shalt  }
0x55: {  	_ =	shalt  }
0x56: {  	_ =	shalt  }
0x57: {  	_ =	shalt  }
0x58: {  	_ =	shalt  }
0x59: {  	_ =	shalt  }
0x5a: {  	_ =	shalt  }
0x5b: {  	_ =	shalt  }
0x5c: {  	_ =	shalt  }
0x5d: {  	_ =	shalt  }
0x5e: {  	_ =	shalt  }
0x5f: {  	_ =	shalt  }
0x60: {  	_ =	shalt  }
0x61: {  	_ =	shalt  }
0x62: {  	_ =	shalt  }
0x63: {  	_ =	shalt  }
0x64: {  	_ =	shalt  }
0x65: {  	_ =	shalt  }
0x66: {  	_ =	shalt  }
0x67: {  	_ =	shalt  }
0x68: {  	_ =	shalt  }
0x69: {  	_ =	shalt  }
0x6a: {  	_ =	shalt  }
0x6b: {  	_ =	shalt  }
0x6c: {  	_ =	shalt  }
0x6d: {  	_ =	shalt  }
0x6e: {  	_ =	shalt  }
0x6f: {  	_ =	shalt  }
0x70: {  	_ =	shalt  }
0x71: {  	_ =	shalt  }
0x72: {  	_ =	shalt  }
0x73: {  	_ =	shalt  }
0x74: {  	_ =	shalt  }
0x75: {  	_ =	shalt  }
0x76: {  	_ =	shalt  }
0x77: {  	_ =	shalt  }
0x78: {  	_ =	shalt  }
0x79: {  	_ =	shalt  }
0x7a: {  	_ =	shalt  }
0x7b: {  	_ =	shalt  }
0x7c: {  	_ =	shalt  }
0x7d: {  	_ =	shalt  }
0x7e: {  	_ =	shalt  }
0x7f: {  	_ =	shalt  }
0x80: {  	_ =	shalt  }
0x81: {  	_ =	shalt  }
0x82: {  	_ =	shalt  }
0x83: {  	_ =	shalt  }
0x84: {  	_ =	shalt  }
0x85: {  	_ =	shalt  }
0x86: {  	_ =	shalt  }
0x87: {  	_ =	shalt  }
.Lfunc_end0:
.L_simem_size_0:
called_computation.2_lowered:
.L_overlay_start_0:
0x88: {  	s2 =	sld [smem:$0x3FD9]  }
0x89: {  	s3 =	sld [smem:$0x3FFE];
	_ =	sdelay $0x1  }
0x8a: {  	s1 =	srdreg.scid  }
0x8b: {  	s0 =	sand.u32 $0x1, s1  }
0x8c: {  	s17 =	sshll.u32 s0, $0xA;
	s2 =	sadd.s32 s3, s2  }
0x8d: {  	s2 =	sadd.s32 s2, s17  }
0x8e: {  	[smem:$0x3FC2] =	sst s2  }
0x8f: {  	_ = 	snop  }
0x90: {  	s2 =	sld [smem:$0x3FD0];
	(tm) =	ssettm $0x1  }
0x91: {  	s18 =	sld [smem:$0x3FFB];
	_ =	sdelay $0x3  }
0x92: {  	_ =	strace s18  }
0x93: {  	s3 =	sld [smem:$0x3FFC];
	_ =	sdelay $0x3  }
0x94: {  	_ =	strace s3  }
0x95: {  	s3 =	sld [smem:$0x3FFD];
	_ =	sdelay $0x3  }
0x96: {  	_ =	strace s3  }
0x97: {  	_ =	strace $0x8FFFFFFF  }
0x98: {  	s19 =	sld [smem:$0x3FDB];
	_ =	sdelay $0x1  }
0x99: {  	s4 =	simm.s32 $_scs_section_size  }
0x9a: {  	s5 =	simm.s32 $_size__tile_overlayer_lowered;
	s6 =	simm.s32 $_tile_overlayer_lowered  }
0x9b: {  	s22 =	simm.s32 $0x1BFF;
	s21 =	sshll.u32 s6, $0x1;
	s3 =	sadd.s32 s4, s19  }
0x9c: {  	s7 =	simm.s32 $0x0;
	s20 =	sshll.u32 s5, $0x1;
	s5 =	sadd.s32 s21, s3  }
0x9d: {  	[timem:s7], [sflag:s22] =	dma.local [hbm:s5], s20  }
0x9e: {  	_ =	swait.ge [sflag:s22], s20  }
0x9f: {  	s4 =	ssub.s32 $0x0, s20;
	[sflag:s22] =	ssyncset.done $0x0  }
0xa0: {  	[sflag:s22] =	ssyncadd.s32 s4;
	_ =	sdelay $0x1  }
0xa1: {  	s23 =	simm.s32 $0x1B8B  }
0xa2: {  	_ =	swait.ge [sflag:s23], $0x1  }
0xa3: {  	[sflag:s23] =	ssyncset.done $0x0  }
0xa4: {  	s25 =	simm.s32 $0x1B8E;
	s24 =	sld [smem:$0x3FFE];
	[sflag:s23] =	ssyncadd.s32 $0xFFFFFFFF  }
0xa5: {  	s26 =	simm.s32 $execute0_lowered;
	[smem:$0x3FD2] =	sst s25  }
0xa6: {  	s5 =	sshll.u32 s26, $0x1;
	_ =	strace $0x8000004C;
	[dreg:$0x1] =	wrdreg $0xFFFFFFFF  }
0xa7: {  	s28 =	simm.s32 $_size_execute0_lowered;
	s3 =	sadd.s32 s3, s5;
	[dreg:$0x0] =	wrdreg $0x0  }
0xa8: {  	s5 =	sshll.u32 s28, $0x1;
	[dreg:$0x2] =	wrdreg s3  }
0xa9: {  	[dreg:$0x3] =	wrdreg s5  }
0xaa: {  	[dreg:$0x4] =	wrdreg $0xC0  }
0xab: {  	_ =	task [dreg:s7], $0x5FFFF  }
0xac: {  	[dreg:$0x1] =	wrdreg $0xFFFFFFFF  }
0xad: {  	[dreg:$0x0] =	wrdreg $0x60  }
0xae: {  	[dreg:$0x2] =	wrdreg s24  }
0xaf: {  	[dreg:$0x3] =	wrdreg s2  }
0xb0: {  	[dreg:$0x4] =	wrdreg $0xA0000  }
0xb1: {  	[dreg:$0x5] =	wrdreg $0x9  }
0xb2: {  	_ =	task.clear_ibuf [dreg:s7], $0x6FFFF;
	_ =	strace $0x9000004C  }
0xb3: {  	s29 =	simm.s32 $0x9;
	_ =	strace $0x8000004E  }
0xb4: {  	_ =	swait.ge [sflag:s29], $0x1  }
0xb5: {  	[sflag:s29] =	ssyncadd.s32 $0xFFFFFFFF  }
0xb6: {  	_ =	strace $0x9000004E  }
0xb7: {  	_ =	sfence  }
0xb8: {  	s30 =	sld [smem:$0x0];
	_ =	sdelay $0x2  }
0xb9: {  	s31 =	sshll.u32 s1, $0xD;
	s1 =	sshrl.u32 s1, $0x2  }
0xba: {  	s3 =	sand.u32 $0x4000, s31;
	s1 =	sadd.s32 s1, s30  }
0xbb: {  	s0 =	sor.u32 s3, s0;
	s1 =	sshll.u32 s1, $0x11  }
0xbc: {  	s0 =	sor.u32 s1, s0  }
0xbd: {  	s0 =	sadd.s32 $0x8F2B, s0  }
0xbe: {  	[sflag:s0] =	ssyncadd.remote.s32 $0x1  }
0xbf: {  	_ =	sfence.sel $0xFFFF  }
0xc0: {  	[dreg:$0x0] =	wrdreg $0xFFFFFFFF;
	(pc) =	sbr.abs _section_cstart, $3  }
0xc1: {  	[dreg:$0x1] =	wrdreg $0xFFFFFFFF  }
0xc2: {  	_ =	task.clear_ibuf [dreg:s7], $0x2FFFF;
	_ =	strace $0x9FFFFFFF  }
0xc3: {  	(tm) =	ssettm $0x7FFFFFFF  }
tec
execute0_lowered:
.L_overlay_start_1:
0x0: {  	(tag) =	ssettag $0x1  }
0x1: {  	s8 =	rddreg [dreg:$0x0]  }
0x2: {  	s1 =	rddreg [dreg:$0x1]  }
0x3: {  	s2 =	rddreg [dreg:$0x2]  }
0x4: {  	s0 =	rddreg [dreg:$0x3]  }
0x5: {  	s4 =	simm.s32 $0x0;
	s3 =	srdreg.scid;
	s16 =	simm.s32 $0x80  }
0x6: {  	s17 =	simm.s32 $0x2000;
	s18 =	simm.s32 $0x6000;
	s19 =	simm.s32 $0x1  }
0x7: {  	s20 =	simm.s32 $0x2;
	s21 =	simm.s32 $0x1F00;
	s22 =	simm.s32 $0x1F80  }
0x8: {  	[smem:$0x7FF] =	sst s4;
	s9 =	sand.u32 $0x1, s3;
	s3 =	stileid.u32  }
0x9: {  	s5 =	sadd.s32 $0x16400, s8;
	s6 =	sadd.s32 $0xC400, s8;
	s10 =	smul.u32 $0x140000, s9  }
0xa: {  	s7 =	sadd.s32 $0x1E00, s8;
	_ =	strace $0x8000004D;
	s11 =	smul.u32 $0x14000, s3  }
0xb: {  	s12 =	smul.u32 $0x50000, s3;
	s29 =	ssub.s32 $0x2, s9;
	s30 =	sshll.u32 s3, $0x6  }
0xc: {  	p0 =	seq.s32 s9, $0x0;
	s31 =	sshll.u32 s3, $0x9;
	s9 =	simm.s32 $0x4  }
0xd: {  	s13 =	sshrl.u32 s29, $0x1;
	s9 =	simm.s32 @!p0 $0x1;
	s10 =	sadd.s32 s11, s10  }
.Ltmp0:
0xe: {  	s12 =	sshrl.u32 s12, $0x2;
	s13 =	ssub.s32 s29, s13;
	(pc) =	sbr.rel .LBB2_1-.Ltmp0, $4  }
0xf: {  	s11 =	sshll.u32 s3, $0xB;
	s10 =	sshrl.u32 s10, $0x3;
	s15 =	sadd.s32 s12, s2  }
0x10: {  	s12 =	smax.u32 s13, $0x1;
	s14 =	sadd.s32 s10, s8;
	s8 =	sor.u32 $0x8000, s31  }
0x11: {  	s10 =	sor.u32 $0x1C03, s30;
	s13 =	sshrl.u32 s15, $0x3;
	s15 =	simm.s32 $0x1000  }
0x12: {  	s8 =	smov.u32 @p0 s11;
	s11 =	sadd.s32 $0x20400, s14;
	s14 =	simm.s32 $0x3  }
.LBB2_7:
0x13: {  	s4 =	sadd.s32 $0x1, s4  }
0x14: {  	p0 =	sne.s32 s4, s12  }
.Ltmp1:
0x15: {  	[bflag:$0x0] =	sbarrier.arrive $0xFFFF;
	(pc) =	sbr.rel @!p0 .LBB2_8-.Ltmp1, $4  }
0x16: {  	[hbm:s11], [sflag:s10] =	dma.local [spmem:s13], $0x2800  }
0x17: {  	_ =	swait.ge [sflag:s14], $0x2800  }
0x18: {  	[sflag:s14] =	ssyncset.done $0x0  }
0x19: {  	[sflag:s14] =	ssyncadd.s32 $0xFFFFD800  }
.LBB2_1:
0x1a: {  	[spmem:s13], [sflag:s10] =	dma.local [hbm:s7], $0x2800  }
.Ltmp2:
0x1b: {  	_ =	swait.ge [sflag:s14], $0x2800;
	(pc) =	sbr.rel .LBB2_2-.Ltmp2, $4  }
0x1c: {  	[sflag:s14] =	ssyncset.done $0x0  }
0x1d: {  	[sflag:s14] =	ssyncadd.s32 $0xFFFFD800  }
0x1e: {  	[bflag:$0x0] =	sbarrier.arrive $0xFFFF  }
0x1f: {  	s23 =	simm.s32 $0x0  }
.LBB2_6:
0x20: {  	s23 =	sadd.s32 $0x1, s23  }
0x21: {  	p0 =	sne.s32 s23, $0x4  }
.Ltmp3:
0x22: {  	_ = 	snop;
	(pc) =	sbr.rel @!p0 .LBB2_7-.Ltmp3, $1  }
0x23: {  	_ =	sdelay $0x3  }
.LBB2_2:
0x24: {  	p0 =	sge.u32 s23, s9  }
.Ltmp4:
0x25: {  	_ = 	snop;
	(pc) =	sbr.rel @p0 .LBB2_6-.Ltmp4, $1  }
0x26: {  	_ =	sdelay $0x3  }
0x27: {  	s24 =	sshll.u32 s23, $0x9  }
0x28: {  	s24 =	sadd.s32 s8, s24  }
0x29: {  	s26 =	simm.s32 $0x0;
	s25 =	sadd.s32 s5, s24  }
0x2a: {  	[tilespmem:s26], [sflag:$0x3] =	stream.linear.gather [hbm4b:s25+s26], $0x1000, $0x38;
	[tilespmem:$0x1E000] =	vst v63  }
0x2b: {  	_ =	swait.ge [sflag:s14], $0x1000  }
0x2c: {  	[sflag:s14] =	ssyncset.done $0x0  }
0x2d: {  	s24 =	sadd.s32 s6, s24;
	[sflag:s14] =	ssyncadd.s32 $0xFFFFF000  }
0x2e: {  	[tilespmem:s15], [sflag:$0x3] =	stream.linear.gather [hbm4b:s24+s26], $0x1000, $0x38;
	[tilespmem:$0x1E000] =	vst v63  }
0x2f: {  	_ =	swait.ge [sflag:s14], $0x1000  }
0x30: {  	[sflag:s14] =	ssyncset.done $0x0  }
0x31: {  	[sflag:s14] =	ssyncadd.s32 $0xFFFFF000  }
0x32: {  	[tilespmem:s17], [sflag:$0x1] =	stream.indirect.gather [hbm4b:s1+s16], $0x80, s26, s16, $0xb8;
	[tilespmem:$0x1E000] =	vst v63  }
0x33: {  	_ = 	snop  }
0x34: {  	[tilespmem:s18], [sflag:$0x2] =	stream.indirect.gather [hbm4b:s1+s16], $0x80, s16, s16, $0xb8;
	[tilespmem:$0x1E000] =	vst v63  }
0x35: {  	_ =	swait.ge [sflag:s19], $0x4000  }
0x36: {  	[sflag:s19] =	ssyncset.done $0x0  }
0x37: {  	s29 =	simm.s32 $0x1000;
	[sflag:s19] =	ssyncadd.s32 $0xFFFFC000  }
0x38: {  	[spmem:s2] =	stream.indirect.scatter.add.f32 [tilespmem:s17], [sflag:$0x3], $0x80, s29, s16, $0xb8;
	[tilespmem:$0x1E000] =	vst v63  }
0x39: {  	_ =	swait.ge [sflag:s14], $0x4000  }
0x3a: {  	[sflag:s14] =	ssyncset.done $0x0  }
0x3b: {  	s30 =	simm.s32 $0x100;
	[sflag:s14] =	ssyncadd.s32 $0xFFFFC000  }
0x3c: {  	[tilespmem:s17], [sflag:$0x1] =	stream.indirect.gather [hbm4b:s1+s16], $0x80, s30, s16, $0xb8;
	[tilespmem:$0x1E000] =	vst v63  }
0x3d: {  	_ =	swait.ge [sflag:s20], $0x4000  }
0x3e: {  	[sflag:s20] =	ssyncset.done $0x0  }
0x3f: {  	s31 =	simm.s32 $0x1080;
	[sflag:s20] =	ssyncadd.s32 $0xFFFFC000  }
0x40: {  	[spmem:s2] =	stream.indirect.scatter.add.f32 [tilespmem:s18], [sflag:$0x3], $0x80, s31, s16, $0xb8;
	[tilespmem:$0x1E000] =	vst v63  }
0x41: {  	_ =	swait.ge [sflag:s14], $0x4000  }
0x42: {  	[sflag:s14] =	ssyncset.done $0x0  }
0x43: {  	s25 =	simm.s32 $0x180;
	s24 =	simm.s32 $0x400;
	[sflag:s14] =	ssyncadd.s32 $0xFFFFC000  }
.LBB2_4:
0x44: {  	[tilespmem:s18], [sflag:$0x2] =	stream.indirect.gather [hbm4b:s1+s16], $0x80, s25, s16, $0xb8;
	[tilespmem:$0x1E000] =	vst v63  }
0x45: {  	s25 =	smov.u32 s24  }
0x46: {  	p0 =	sne.s32 s24, $0x3800;
	s24 =	sadd.s32 $0x400, s24;
	_ =	swait.ge [sflag:s19], $0x4000  }
0x47: {  	s25 =	sshra.s32 s25, $0x2;
	[sflag:s19] =	ssyncset.done $0x0  }
0x48: {  	s26 =	sadd.s32 $0x1000, s25;
	[sflag:s19] =	ssyncadd.s32 $0xFFFFC000  }
0x49: {  	[spmem:s2] =	stream.indirect.scatter.add.f32 [tilespmem:s17], [sflag:$0x3], $0x80, s26, s16, $0xb8;
	[tilespmem:$0x1E000] =	vst v63  }
0x4a: {  	_ =	swait.ge [sflag:s14], $0x4000  }
0x4b: {  	[sflag:s14] =	ssyncset.done $0x0  }
0x4c: {  	s26 =	sadd.s32 $0x100, s25;
	[sflag:s14] =	ssyncadd.s32 $0xFFFFC000  }
0x4d: {  	[tilespmem:s17], [sflag:$0x1] =	stream.indirect.gather [hbm4b:s1+s16], $0x80, s26, s16, $0xb8;
	[tilespmem:$0x1E000] =	vst v63  }
0x4e: {  	_ =	swait.ge [sflag:s20], $0x4000  }
0x4f: {  	[sflag:s20] =	ssyncset.done $0x0  }
.Ltmp5:
0x50: {  	s26 =	sadd.s32 $0x1080, s25;
	[sflag:s20] =	ssyncadd.s32 $0xFFFFC000;
	(pc) =	sbr.rel @p0 .LBB2_4-.Ltmp5, $4  }
0x51: {  	[spmem:s2] =	stream.indirect.scatter.add.f32 [tilespmem:s18], [sflag:$0x3], $0x80, s26, s16, $0xb8;
	[tilespmem:$0x1E000] =	vst v63  }
0x52: {  	_ =	swait.ge [sflag:s14], $0x4000  }
0x53: {  	[sflag:s14] =	ssyncset.done $0x0  }
0x54: {  	s25 =	sadd.s32 $0x180, s25;
	[sflag:s14] =	ssyncadd.s32 $0xFFFFC000  }
0x55: {  	[tilespmem:s18], [sflag:$0x2] =	stream.indirect.gather [hbm4b:s1+s16], $0x80, s25, s16, $0xb8;
	[tilespmem:$0x1E000] =	vst v63  }
0x56: {  	_ =	swait.ge [sflag:s19], $0x4000  }
0x57: {  	[sflag:s19] =	ssyncset.done $0x0  }
0x58: {  	[sflag:s19] =	ssyncadd.s32 $0xFFFFC000  }
0x59: {  	[spmem:s2] =	stream.indirect.scatter.add.f32 [tilespmem:s17], [sflag:$0x3], $0x80, s21, s16, $0xb8;
	[tilespmem:$0x1E000] =	vst v63  }
0x5a: {  	_ =	swait.ge [sflag:s14], $0x4000  }
0x5b: {  	[sflag:s14] =	ssyncset.done $0x0  }
0x5c: {  	[sflag:s14] =	ssyncadd.s32 $0xFFFFC000  }
0x5d: {  	_ =	swait.ge [sflag:s20], $0x4000  }
0x5e: {  	[sflag:s20] =	ssyncset.done $0x0  }
.Ltmp6:
0x5f: {  	[sflag:s20] =	ssyncadd.s32 $0xFFFFC000;
	(pc) =	sbr.rel .LBB2_6-.Ltmp6, $4  }
0x60: {  	[spmem:s2] =	stream.indirect.scatter.add.f32 [tilespmem:s18], [sflag:$0x3], $0x80, s22, s16, $0xb8;
	[tilespmem:$0x1E000] =	vst v63  }
0x61: {  	_ =	swait.ge [sflag:s14], $0x4000  }
0x62: {  	[sflag:s14] =	ssyncset.done $0x0  }
0x63: {  	[sflag:s14] =	ssyncadd.s32 $0xFFFFC000  }
.LBB2_8:
0x64: {  	_ =	sfence.sel $0x180000  }
0x65: {  	[bflag:$0x0] =	sbarrier.arrive $0xFFFF  }
0x66: {  	p0 =	sne.s32 s3, $0x0;
	_ =	strace $0x9000004D  }
0x67: {  	s0 =	sadd.s32 @!p0 $0x100000, s0;
	[bflag:$0x2] =	sbarrier.arrive $0xFFFF  }
0x68: {  	[sflag:s0] =	ssyncadd.tile.s32 @!p0 $0x1;
	_ =	shalt  }
.Lfunc_end2:
_tile_overlayer_lowered:
.L_overlay_start_2:
0x69: {  	(tag) =	ssettag $0x2  }
0x6a: {  	s0 =	rddreg [dreg:$0x0];
	s2 =	stileid.u32  }
0x6b: {  	s1 =	rddreg [dreg:$0x1];
	p0 =	sne.s32 s2, $0x0  }
0x6c: {  	s3 =	rddreg [dreg:$0x2];
	[bflag:$0x3] =	sbarrier.arrive $0xFFFF;
	s2 =	simm.s32 @!p0 $0x1C03  }
0x6d: {  	[timem:s3], [sflag:s2] =	dma.local @!p0 [hbm:s0], s1  }
0x6e: {  	s0 =	simm.s32 @!p0 $0x3  }
0x6f: {  	_ =	swait.ge @!p0 [sflag:s0], s1  }
0x70: {  	s1 =	ssub.s32 @!p0 $0x0, s1;
	[sflag:s0] =	ssyncset.done @!p0 $0x0  }
0x71: {  	[sflag:s0] =	ssyncadd.s32 @!p0 s1  }
0x72: {  	[bflag:$0x3] =	sbarrier.arrive $0xFFFF  }
0x73: {  	_ =	shalt  }

// kernel: kernel.8.cloned.1.call-start
scs
__scs_entry_jumppad:
0x0: {  	(pc) =	sbr.rel $0x88, $3  }
0x1: {  	(tag) =	ssettag $0x0;
	lr =	simm.s32 $0x1  }
0x2: {  	[smem:$0x3F9B] =	sst lr;
	_ =	strace $0xD0000000  }
0x3: {  	_ = 	snop  }
0x4: {  	_ = 	snop  }
0x5: {  	_ = 	snop  }
0x6: {  	_ = 	snop  }
0x7: {  	_ = 	snop  }
__scs_overlays_trampoline_lowered:
0x8: {  	[smem:$0x3FAA] =	sst s0  }
0x9: {  	[smem:$0x3FAB] =	sst s1  }
0xa: {  	[smem:$0x3FAC] =	sst s2  }
0xb: {  	[smem:$0x3FAD] =	sst s3  }
0xc: {  	[smem:$0x3FAE] =	sst s4  }
0xd: {  	[smem:$0x3FAF] =	sst s5  }
0xe: {  	[smem:$0x3FB0] =	sst s6  }
0xf: {  	[smem:$0x3FB1] =	sst s7  }
0x10: {  	[smem:$0x3FB2] =	sst s8  }
0x11: {  	[smem:$0x3FB3] =	sst s9;
	s0 =	simm.s32 @!p0 $0x0  }
0x12: {  	s1 =	sld [smem:$0x3F99];
	s0 =	simm.s32 @p0 $0x1  }
0x13: {  	[smem:$0x3FB4] =	sst s0;
	s0 =	simm.s32 @!p1 $0x0  }
0x14: {  	s2 =	sld [smem:$0x3F98];
	s0 =	simm.s32 @p1 $0x1  }
0x15: {  	[smem:$0x3FB5] =	sst s0;
	s0 =	simm.s32 @!p2 $0x0  }
0x16: {  	s3 =	sld [smem:$0x3FDB];
	s0 =	simm.s32 @p2 $0x1  }
0x17: {  	s4 =	simm.s32 $0x1BF5;
	[smem:$0x3FB7] =	sst s0  }
0x18: {  	s0 =	sld [smem:$0x3F9A];
	_ =	swait.ge [sflag:s4], $0x0  }
0x19: {  	s7 =	sld [smem:$0x3F9B]  }
0x1a: {  	s8 =	sadd.s32 $0xFFFFE003, lr  }
0x1b: {  	s9 =	sadd.s32 $0xFFFFFEF7, lr;
	s5 =	simm.s32 $0xFFFFFFFF;
	p2 =	slt.u32 s8, $0xFFFFF086  }
0x1c: {  	p1 =	slt.u32 s9, $0xF7A;
	s5 =	simm.s32 @!p2 $0x0  }
0x1d: {  	s5 =	simm.s32 @p1 $0x1;
	p0 =	seq.s32 s7, s2  }
0x1e: {  	s7 =	smul.u32 @!p0 $0xF7A, s2;
	p2 =	seq.s32 @!p0 s5, $0x0  }
0x1f: {  	s9 =	smul.u32 $0xF7A, s1;
	s8 =	simm.s32 @!p0 $0x1BF5;
	p2 =	por !p2, p0  }
0x20: {  	[sflag:s8] =	ssyncset.s32 @!p0 $0xFFFFF086;
	s6 =	sadd.s32 @!p0 s3, s7;
	s7 =	simm.s32 @!p0 $0x108  }
0x21: {  	s3 =	sadd.s32 s3, s9;
	s6 =	sadd.s32 @!p0 $0x88, s6;
	s7 =	simm.s32 @p2 $0x1082  }
0x22: {  	[simem:s7], [sflag:s8] =	dma.local @!p0 [hbm:s6], $0xF7A  }
0x23: {  	s9 =	sor.u32 $0xD0000000, s2;
	s6 =	simm.s32 $0x108;
	_ =	swait.ge @!p0 [sflag:s8], $0x0  }
0x24: {  	s3 =	sadd.s32 $0x88, s3;
	s6 =	simm.s32 @!p1 $0x1082;
	[sflag:s4] =	ssyncset.s32 $0xFFFFF086  }
0x25: {  	[simem:s6], [sflag:s4] =	dma.local [hbm:s3], $0xF7A  }
0x26: {  	[smem:$0x3F9B] =	sst s1;
	(tag) =	ssettag s2;
	_ =	strace s9  }
0x27: {  	s1 =	sld [smem:$0x3FAB]  }
0x28: {  	s2 =	sld [smem:$0x3FAC]  }
0x29: {  	s4 =	sld [smem:$0x3FAE]  }
0x2a: {  	p0 =	seq.s32 s5, $0x0;
	s5 =	sld [smem:$0x3FAF]  }
0x2b: {  	s6 =	sld [smem:$0x3FB0]  }
0x2c: {  	s7 =	sld [smem:$0x3FB1]  }
0x2d: {  	s3 =	simm.s32 $0x108;
	s8 =	sld [smem:$0x3FB2]  }
0x2e: {  	s3 =	simm.s32 @!p0 $0x1082;
	s9 =	sld [smem:$0x3FB3]  }
0x2f: {  	lr =	sadd.s32 s0, s3;
	s0 =	sld [smem:$0x3FAA]  }
0x30: {  	s3 =	sld [smem:$0x3FAD]  }
0x31: {  	[smem:$0x3FB6] =	sst s10  }
0x32: {  	s10 =	sld [smem:$0x3FB4];
	_ =	sdelay $0x3  }
0x33: {  	p0 =	seq.s32 s10, $0x1;
	s10 =	sld [smem:$0x3FB6];
	_ =	sdelay $0x3  }
0x34: {  	[smem:$0x3FB6] =	sst s10  }
0x35: {  	s10 =	sld [smem:$0x3FB5];
	_ =	sdelay $0x3  }
0x36: {  	p1 =	seq.s32 s10, $0x1;
	s10 =	sld [smem:$0x3FB6];
	_ =	sdelay $0x3  }
0x37: {  	[smem:$0x3FB6] =	sst s10  }
0x38: {  	s10 =	sld [smem:$0x3FB7]  }
0x39: {  	_ = 	snop;
	(pc) =	sbr.ind lr, $3  }
0x3a: {  	_ = 	snop  }
0x3b: {  	_ = 	snop  }
0x3c: {  	p2 =	seq.s32 s10, $0x1;
	s10 =	sld [smem:$0x3FB6]  }
0x3d: {  	_ =	shalt  }
0x3e: {  	_ =	shalt  }
0x3f: {  	_ =	shalt  }
0x40: {  	_ =	shalt  }
0x41: {  	_ =	shalt  }
0x42: {  	_ =	shalt  }
0x43: {  	_ =	shalt  }
0x44: {  	_ =	shalt  }
0x45: {  	_ =	shalt  }
0x46: {  	_ =	shalt  }
0x47: {  	_ =	shalt  }
0x48: {  	_ =	shalt  }
0x49: {  	_ =	shalt  }
0x4a: {  	_ =	shalt  }
0x4b: {  	_ =	shalt  }
0x4c: {  	_ =	shalt  }
0x4d: {  	_ =	shalt  }
0x4e: {  	_ =	shalt  }
0x4f: {  	_ =	shalt  }
0x50: {  	_ =	shalt  }
0x51: {  	_ =	shalt  }
0x52: {  	_ =	shalt  }
0x53: {  	_ =	shalt  }
0x54: {  	_ =	shalt  }
0x55: {  	_ =	shalt  }
0x56: {  	_ =	shalt  }
0x57: {  	_ =	shalt  }
0x58: {  	_ =	shalt  }
0x59: {  	_ =	shalt  }
0x5a: {  	_ =	shalt  }
0x5b: {  	_ =	shalt  }
0x5c: {  	_ =	shalt  }
0x5d: {  	_ =	shalt  }
0x5e: {  	_ =	shalt  }
0x5f: {  	_ =	shalt  }
0x60: {  	_ =	shalt  }
0x61: {  	_ =	shalt  }
0x62: {  	_ =	shalt  }
0x63: {  	_ =	shalt  }
0x64: {  	_ =	shalt  }
0x65: {  	_ =	shalt  }
0x66: {  	_ =	shalt  }
0x67: {  	_ =	shalt  }
0x68: {  	_ =	shalt  }
0x69: {  	_ =	shalt  }
0x6a: {  	_ =	shalt  }
0x6b: {  	_ =	shalt  }
0x6c: {  	_ =	shalt  }
0x6d: {  	_ =	shalt  }
0x6e: {  	_ =	shalt  }
0x6f: {  	_ =	shalt  }
0x70: {  	_ =	shalt  }
0x71: {  	_ =	shalt  }
0x72: {  	_ =	shalt  }
0x73: {  	_ =	shalt  }
0x74: {  	_ =	shalt  }
0x75: {  	_ =	shalt  }
0x76: {  	_ =	shalt  }
0x77: {  	_ =	shalt  }
0x78: {  	_ =	shalt  }
0x79: {  	_ =	shalt  }
0x7a: {  	_ =	shalt  }
0x7b: {  	_ =	shalt  }
0x7c: {  	_ =	shalt  }
0x7d: {  	_ =	shalt  }
0x7e: {  	_ =	shalt  }
0x7f: {  	_ =	shalt  }
0x80: {  	_ =	shalt  }
0x81: {  	_ =	shalt  }
0x82: {  	_ =	shalt  }
0x83: {  	_ =	shalt  }
0x84: {  	_ =	shalt  }
0x85: {  	_ =	shalt  }
0x86: {  	_ =	shalt  }
0x87: {  	_ =	shalt  }
.Lfunc_end0:
.L_simem_size_0:
called_computation_lowered:
.L_overlay_start_0:
0x88: {  	s2 =	sld [smem:$0x3FD9]  }
0x89: {  	s3 =	sld [smem:$0x3FFE];
	_ =	sdelay $0x1  }
0x8a: {  	s1 =	srdreg.scid  }
0x8b: {  	s0 =	sand.u32 $0x1, s1  }
0x8c: {  	s17 =	sshll.u32 s0, $0xA;
	s2 =	sadd.s32 s3, s2  }
0x8d: {  	s2 =	sadd.s32 s2, s17  }
0x8e: {  	[smem:$0x3FC2] =	sst s2  }
0x8f: {  	_ = 	snop  }
0x90: {  	s2 =	sld [smem:$0x3FD0];
	(tm) =	ssettm $0x1  }
0x91: {  	s18 =	sld [smem:$0x3FFB];
	_ =	sdelay $0x3  }
0x92: {  	_ =	strace s18  }
0x93: {  	s3 =	sld [smem:$0x3FFC];
	_ =	sdelay $0x3  }
0x94: {  	_ =	strace s3  }
0x95: {  	s3 =	sld [smem:$0x3FFD];
	_ =	sdelay $0x3  }
0x96: {  	_ =	strace s3  }
0x97: {  	_ =	strace $0x8FFFFFFF  }
0x98: {  	s19 =	sld [smem:$0x3FDB];
	_ =	sdelay $0x1  }
0x99: {  	s4 =	simm.s32 $_scs_section_size  }
0x9a: {  	s5 =	simm.s32 $_size__tile_overlayer_lowered;
	s6 =	simm.s32 $_tile_overlayer_lowered  }
0x9b: {  	s22 =	simm.s32 $0x1BFF;
	s21 =	sshll.u32 s6, $0x1;
	s3 =	sadd.s32 s4, s19  }
0x9c: {  	s7 =	simm.s32 $0x0;
	s20 =	sshll.u32 s5, $0x1;
	s5 =	sadd.s32 s21, s3  }
0x9d: {  	[timem:s7], [sflag:s22] =	dma.local [hbm:s5], s20  }
0x9e: {  	_ =	swait.ge [sflag:s22], s20  }
0x9f: {  	s4 =	ssub.s32 $0x0, s20;
	[sflag:s22] =	ssyncset.done $0x0  }
0xa0: {  	[sflag:s22] =	ssyncadd.s32 s4;
	_ =	sdelay $0x1  }
0xa1: {  	s23 =	simm.s32 $0x1B8B  }
0xa2: {  	_ =	swait.ge [sflag:s23], $0x1  }
0xa3: {  	[sflag:s23] =	ssyncset.done $0x0  }
0xa4: {  	s25 =	simm.s32 $0x1B8E;
	s24 =	sld [smem:$0x3FFE];
	[sflag:s23] =	ssyncadd.s32 $0xFFFFFFFF  }
0xa5: {  	s26 =	simm.s32 $execute0_lowered;
	[smem:$0x3FD2] =	sst s25  }
0xa6: {  	s5 =	sshll.u32 s26, $0x1;
	_ =	strace $0x80000046;
	[dreg:$0x1] =	wrdreg $0xFFFFFFFF  }
0xa7: {  	s28 =	simm.s32 $_size_execute0_lowered;
	s3 =	sadd.s32 s3, s5;
	[dreg:$0x0] =	wrdreg $0x0  }
0xa8: {  	s5 =	sshll.u32 s28, $0x1;
	[dreg:$0x2] =	wrdreg s3  }
0xa9: {  	[dreg:$0x3] =	wrdreg s5  }
0xaa: {  	[dreg:$0x4] =	wrdreg $0xC0  }
0xab: {  	_ =	task [dreg:s7], $0x5FFFF  }
0xac: {  	[dreg:$0x1] =	wrdreg $0xFFFFFFFF  }
0xad: {  	[dreg:$0x0] =	wrdreg $0x60  }
0xae: {  	[dreg:$0x2] =	wrdreg s24  }
0xaf: {  	[dreg:$0x3] =	wrdreg s2  }
0xb0: {  	[dreg:$0x4] =	wrdreg $0x9  }
0xb1: {  	_ =	task.clear_ibuf [dreg:s7], $0x5FFFF;
	_ =	strace $0x90000046  }
0xb2: {  	s29 =	simm.s32 $0x9;
	_ =	strace $0x80000048  }
0xb3: {  	_ =	swait.ge [sflag:s29], $0x1  }
0xb4: {  	[sflag:s29] =	ssyncadd.s32 $0xFFFFFFFF  }
0xb5: {  	_ =	strace $0x90000048  }
0xb6: {  	_ =	sfence  }
0xb7: {  	s30 =	sld [smem:$0x0];
	_ =	sdelay $0x2  }
0xb8: {  	s31 =	sshll.u32 s1, $0xD;
	s1 =	sshrl.u32 s1, $0x2  }
0xb9: {  	s3 =	sand.u32 $0x4000, s31;
	s1 =	sadd.s32 s1, s30  }
0xba: {  	s0 =	sor.u32 s3, s0;
	s1 =	sshll.u32 s1, $0x11  }
0xbb: {  	s0 =	sor.u32 s1, s0  }
0xbc: {  	s0 =	sadd.s32 $0x8F2B, s0  }
0xbd: {  	[sflag:s0] =	ssyncadd.remote.s32 $0x1  }
0xbe: {  	_ =	sfence.sel $0xFFFF  }
0xbf: {  	[dreg:$0x0] =	wrdreg $0xFFFFFFFF;
	(pc) =	sbr.abs _section_cstart, $3  }
0xc0: {  	[dreg:$0x1] =	wrdreg $0xFFFFFFFF  }
0xc1: {  	_ =	task.clear_ibuf [dreg:s7], $0x2FFFF;
	_ =	strace $0x9FFFFFFF  }
0xc2: {  	(tm) =	ssettm $0x7FFFFFFF  }
0xc3: {  	_ =	shalt  }
tec
execute0_lowered:
.L_overlay_start_1:
0x0: {  	(tag) =	ssettag $0x1  }
0x1: {  	s0 =	srdreg.scid;
	s4 =	rddreg [dreg:$0x0]  }
0x2: {  	s5 =	rddreg [dreg:$0x1];
	s1 =	stileid.u32;
	s3 =	sand.u32 $0x1, s0  }
0x3: {  	s2 =	simm.s32 $0x0;
	s0 =	rddreg [dreg:$0x2];
	s6 =	sshll.u32 s3, $0x4  }
0x4: {  	[smem:$0x7FF] =	sst s2;
	s7 =	ssub.s32 $0x2, s3;
	s6 =	sor.u32 s1, s6  }
0x5: {  	_ =	strace $0x80000047;
	s8 =	sshrl.u32 s7, $0x1;
	s6 =	smul.u32 $0x500, s6  }
0x6: {  	s3 =	sadd.s32 $0x1E00, s4;
	s7 =	ssub.s32 s7, s8;
	s8 =	simm.s32 $0x1  }
0x7: {  	s9 =	sadd.s32 s6, s4;
	s4 =	sadd.s32 s5, s6;
	s6 =	smax.u32 s7, $0x1  }
0x8: {  	v0 =	vimm.f32 $1.000000000e+00;
	s7 =	simm.s32 $0x2800;
	s5 =	sadd.s32 $0x2400, s9;
	s9 =	simm.s32 $0x0  }
.LBB2_1:
0x9: {  	[tilespmem:s7], [sflag:$0x1] =	stream.linear.gather [hbm4b:s3+s2], $0x2800, $0x38;
	[tilespmem:$0x5000] =	vst v63  }
0xa: {  	_ =	swait.ge [sflag:s8], $0x2800  }
0xb: {  	[sflag:s8] =	ssyncset.done $0x0  }
0xc: {  	[sflag:s8] =	ssyncadd.s32 $0xFFFFD800  }
0xd: {  	[tilespmem:s2], [sflag:$0x1] =	stream.linear.gather [hbm4b:s4+s2], $0x2800, $0x38;
	[tilespmem:$0x5000] =	vst v63  }
0xe: {  	_ =	swait.ge [sflag:s8], $0x2800  }
0xf: {  	[sflag:s8] =	ssyncset.done $0x0  }
0x10: {  	s10 =	simm.s32 $0x0;
	[sflag:s8] =	ssyncadd.s32 $0xFFFFD800  }
.LBB2_2:
0x11: {  	s11 =	sshra.s32 s10, $0x2  }
0x12: {  	v1 =	vld [tilespmem:s11+$0x0];
	_ =	sdelay $0x7  }
0x13: {  	[tilespmem:v1+s7+$0x0] =	vst.idx.add.f32.msk $0xffff, v0  }
0x14: {  	v1 =	vld [tilespmem:s11+$0x10];
	_ =	sdelay $0x7  }
0x15: {  	[tilespmem:v1+s7+$0x0] =	vst.idx.add.f32.msk $0xffff, v0  }
0x16: {  	v1 =	vld [tilespmem:s11+$0x20];
	_ =	sdelay $0x7  }
0x17: {  	[tilespmem:v1+s7+$0x0] =	vst.idx.add.f32.msk $0xffff, v0  }
0x18: {  	v1 =	vld [tilespmem:s11+$0x30];
	_ =	sdelay $0x7  }
0x19: {  	[tilespmem:v1+s7+$0x0] =	vst.idx.add.f32.msk $0xffff, v0  }
0x1a: {  	v1 =	vld [tilespmem:s11+$0x40];
	_ =	sdelay $0x7  }
0x1b: {  	[tilespmem:v1+s7+$0x0] =	vst.idx.add.f32.msk $0xffff, v0  }
0x1c: {  	v1 =	vld [tilespmem:s11+$0x50];
	_ =	sdelay $0x7  }
0x1d: {  	[tilespmem:v1+s7+$0x0] =	vst.idx.add.f32.msk $0xffff, v0  }
0x1e: {  	v1 =	vld [tilespmem:s11+$0x60];
	_ =	sdelay $0x7  }
0x1f: {  	[tilespmem:v1+s7+$0x0] =	vst.idx.add.f32.msk $0xffff, v0  }
0x20: {  	v1 =	vld [tilespmem:s11+$0x70];
	_ =	sdelay $0x2  }
0x21: {  	p0 =	sne.s32 s10, $0x9E00  }
.Ltmp0:
0x22: {  	_ = 	snop;
	(pc) =	sbr.rel @p0 .LBB2_2-.Ltmp0, $2  }
0x23: {  	_ =	sdelay $0x2  }
0x24: {  	s10 =	sadd.s32 $0x200, s10;
	[tilespmem:v1+s7+$0x0] =	vst.idx.add.f32.msk $0xffff, v0  }
0x25: {  	s9 =	sadd.s32 $0x1, s9  }
0x26: {  	p0 =	sne.s32 s9, s6  }
.Ltmp1:
0x27: {  	_ = 	snop;
	(pc) =	sbr.rel @p0 .LBB2_1-.Ltmp1, $4  }
0x28: {  	[hbm4b:s5+s2] =	stream.linear.scatter [tilespmem:s7], [sflag:$0x1], $0x2800, $0x38;
	[tilespmem:$0x5000] =	vst v63  }
0x29: {  	_ =	swait.ge [sflag:s8], $0x2800  }
0x2a: {  	[sflag:s8] =	ssyncset.done $0x0  }
0x2b: {  	[sflag:s8] =	ssyncadd.s32 $0xFFFFD800  }
0x2c: {  	_ =	sfence.sel $0x180000  }
0x2d: {  	[bflag:$0x0] =	sbarrier.arrive $0xFFFF  }
0x2e: {  	p0 =	sne.s32 s1, $0x0;
	_ =	strace $0x90000047  }
0x2f: {  	s0 =	sadd.s32 @!p0 $0x100000, s0;
	[bflag:$0x2] =	sbarrier.arrive $0xFFFF  }
0x30: {  	[sflag:s0] =	ssyncadd.tile.s32 @!p0 $0x1;
	_ =	shalt  }
.Lfunc_end2:
_tile_overlayer_lowered:
.L_overlay_start_2:
0x31: {  	(tag) =	ssettag $0x2  }
0x32: {  	s0 =	rddreg [dreg:$0x0];
	s2 =	stileid.u32  }
0x33: {  	s1 =	rddreg [dreg:$0x1];
	p0 =	sne.s32 s2, $0x0  }
0x34: {  	s3 =	rddreg [dreg:$0x2];
	[bflag:$0x3] =	sbarrier.arrive $0xFFFF;
	s2 =	simm.s32 @!p0 $0x1C01  }
0x35: {  	[timem:s3], [sflag:s2] =	dma.local @!p0 [hbm:s0], s1  }
0x36: {  	s0 =	simm.s32 @!p0 $0x1  }
0x37: {  	_ =	swait.ge @!p0 [sflag:s0], s1  }
0x38: {  	s1 =	ssub.s32 @!p0 $0x0, s1;
	[sflag:s0] =	ssyncset.done @!p0 $0x0  }
0x39: {  	[sflag:s0] =	ssyncadd.s32 @!p0 s1  }
0x3a: {  	[bflag:$0x3] =	sbarrier.arrive $0xFFFF  }
0x3b: {  	_ =	shalt  }

</sc_bundles>
